<compile_context>
chip_gen: v7x
topology: tpu7x:2x2x1
jax: 0.10.2.dev20260603
libtpu: 0.0.44.dev20260713+nightly
codegen_flags: <defaults>
</compile_context>

<pallas_src>
import functools

import jax
import jax.numpy as jnp
from jax import lax
from jax.experimental import pallas as pl
from jax.experimental.pallas import tpu as pltpu
from jax.experimental.pallas import tpu_sc as plsc

D = 128
B = 1024
T = 200
ROWS = B * T
NC = 2
NS = 16
L = 16
NW = NC * NS
RPW = ROWS // NW
CH = 200
G = 100
NG = CH // G
NCH = RPW // CH


NB = 3


def _body(idx_hbm, tok_hbm, pos_hbm, out_hbm, idx_v, pos_v, buf, semg, sems):
  wid = lax.axis_index("s") * NC + lax.axis_index("c")
  pltpu.sync_copy(idx_hbm.at[pl.ds(wid * NCH, NCH)], idx_v)
  pltpu.sync_copy(pos_hbm, pos_v)

  def gather_args(j, g):
    b = j % NB
    return (tok_hbm.at[idx_v.at[j, g]], buf.at[b, pl.ds(g * G, G)],
            semg.at[b])

  def scatter_args(j):
    b = j % NB
    return (buf.at[b], out_hbm.at[pl.ds(wid * RPW + j * CH, CH)], sems.at[b])

  def start_gather(j):
    for g in range(NG):
      pltpu.async_copy(*gather_args(j, g))

  def wait_gather(j):
    for g in range(NG):
      pltpu.make_async_copy(*gather_args(j, g)).wait()

  start_gather(0)
  start_gather(1)

  def chunk_body(j, carry):
    b = j % NB
    wait_gather(j)

    @plsc.parallel_loop(0, CH, step=1, unroll=4)
    def _add_row(r):
      vals = [pos_v[r, pl.ds(c * L, L)] for c in range(D // L)]
      for c in range(D // L):
        plsc.addupdate(buf.at[b, r, pl.ds(c * L, L)], vals[c])
    pltpu.async_copy(*scatter_args(j))

    @pl.when(j + 2 < NCH)
    def _refill():
      @pl.when(j >= 1)
      def _drain():
        pltpu.make_async_copy(*scatter_args(j - 1)).wait()

      start_gather(j + 2)

    return carry

  lax.fori_loop(0, NCH, chunk_body, 0)
  for j in (NCH - 3, NCH - 2, NCH - 1):
    pltpu.make_async_copy(*scatter_args(j)).wait()


_mesh = plsc.VectorSubcoreMesh(core_axis_name="c", subcore_axis_name="s")

_call = functools.partial(
    pl.kernel,
    mesh=_mesh,
    out_type=jax.ShapeDtypeStruct((ROWS, D), jnp.float32),
    scratch_types=[
        pltpu.VMEM((NCH, NG, G), jnp.int32),
        pltpu.VMEM((T, D), jnp.float32),
        pltpu.VMEM((NB, CH, D), jnp.float32),
        pltpu.SemaphoreType.DMA((NB,)),
        pltpu.SemaphoreType.DMA((NB,)),
    ],
)(_body)


@jax.jit
def kernel(idx, token_table, pos_table):
  idx2 = idx.reshape(NW * NCH, NG, G).astype(jnp.int32)
  out = _call(idx2, token_table, pos_table[:T])
  return out.reshape(B, T, D)

# --- scband reference (transcript-rebuilt; emitter-appended) ---
"""Pipeline reference for scband-embedding-47545287966735 (READ-ONLY COPY).

The authoritative reference and input builder live on the scoring server;
editing this copy changes nothing except your own understanding.
"""

import jax, jax.numpy as jnp
import numpy as np

VOCAB_SIZE = 100000
N_EMBD = 128
N_POSITIONS = 2048
B = 1024
T = 200

def setup_inputs(seed: int = 0) -> dict:
    key = jax.random.key(seed)
    k_idx, k_tok, k_pos = jax.random.split(key, 3)
    idx = jax.random.randint(k_idx, (B, T), 0, VOCAB_SIZE, dtype=jnp.int64 if jax.config.jax_enable_x64 else jnp.int32)
    token_table = jax.random.normal(k_tok, (VOCAB_SIZE, N_EMBD), dtype=jnp.float32) * 0.02
    pos_table = jax.random.normal(k_pos, (N_POSITIONS, N_EMBD), dtype=jnp.float32) * 0.02
    return {"idx": idx, "token_table": token_table, "pos_table": pos_table}

def reference(idx, token_table, pos_table):
    # Faithful translation of:
    #   B, T = idx.shape
    #   positions = torch.arange(T).unsqueeze(0)
    #   return self.token(idx) + self.pos(positions)
    Tlen = idx.shape[1]
    positions = jnp.arange(Tlen)[None, :]                 # [1, T]
    tok_emb = jnp.take(token_table, idx, axis=0)          # [B, T, n_embd] gather
    pos_emb = jnp.take(pos_table, positions, axis=0)      # [1, T, n_embd] gather
    return tok_emb + pos_emb                              # broadcast add over batch

if __name__ == "__main__":
    import jax
    _d = setup_inputs()
    print(jax.jit(kernel)(*tuple(_d.values())))

</pallas_src>

<mosaic_0001>
#map = affine_map<(d0, d1) -> (0, 0, 0)>
#map1 = affine_map<(d0, d1) -> (0, 0)>
module attributes {stable_mosaic.version = 14 : i64} {
  func.func @_body(%arg0: i32, %arg1: i32, %arg2: memref<1024x2x100xi32, #tpu.memory_space<hbm>>, %arg3: memref<100000x128xf32, #tpu.memory_space<hbm>>, %arg4: memref<200x128xf32, #tpu.memory_space<hbm>>, %arg5: memref<204800x128xf32, #tpu.memory_space<hbm>>, %arg6: memref<32x2x100xi32, #tpu.memory_space<vmem>>, %arg7: memref<200x128xf32, #tpu.memory_space<vmem>>, %arg8: memref<3x200x128xf32, #tpu.memory_space<vmem>>, %arg9: memref<3x!tpu.dma_semaphore, #tpu.memory_space<semaphore_mem>>, %arg10: memref<3x!tpu.dma_semaphore, #tpu.memory_space<semaphore_mem>>) attributes {dimension_semantics = [#tpu.dimension_semantics<core_parallel>, #tpu.dimension_semantics<subcore_parallel>], iteration_bounds = array<i64: 2, 16>, scalar_prefetch = 0 : i64, scratch_operands = 5 : i64, tpu.core_type = #tpu.core_type<sc_vector_subcore>, window_params = [{transform_indices = #map}, {transform_indices = #map1}, {transform_indices = #map1}, {transform_indices = #map1}]} {
    %mul3A = arith.constant 2 : i32
    %mul3A_0 = arith.muli %arg1, %mul3A : i32
    %add3A = arith.addi %mul3A_0, %arg0 : i32
    %mul3A_1 = arith.constant 32 : i32
    %mul3A_2 = arith.muli %add3A, %mul3A_1 : i32
    "tpu.region"() ({
      %run_scoped3A = tpu.sem_alloc : memref<!tpu.dma_semaphore, #tpu.memory_space<semaphore_mem>>
      %dma_start3A_130 = arith.constant 0 : i32
      %dma_start3A_131 = arith.constant 0 : i32
      %dma_start3A_132 = tpu.memref_slice %arg2[%mul3A_2, %dma_start3A_130, %dma_start3A_131] : memref<1024x2x100xi32, #tpu.memory_space<hbm>> -> memref<32x2x100xi32, #tpu.memory_space<hbm>>
      %dma_start3A_133 = arith.constant 0 : i32
      %dma_start3A_134 = arith.constant 0 : i32
      %dma_start3A_135 = tpu.memref_slice %arg2[%mul3A_2, %dma_start3A_133, %dma_start3A_134] : memref<1024x2x100xi32, #tpu.memory_space<hbm>> -> memref<32x2x100xi32, #tpu.memory_space<hbm>>
      tpu.enqueue_dma source(%dma_start3A_135 : memref<32x2x100xi32, #tpu.memory_space<hbm>>) target(%arg6 : memref<32x2x100xi32, #tpu.memory_space<vmem>>) target_semaphore(%run_scoped3A : memref<!tpu.dma_semaphore, #tpu.memory_space<semaphore_mem>>)
      %dma_wait3A_136 = arith.constant 0 : i32
      %dma_wait3A_137 = arith.constant 0 : i32
      %dma_wait3A_138 = tpu.memref_slice %arg2[%mul3A_2, %dma_wait3A_136, %dma_wait3A_137] : memref<1024x2x100xi32, #tpu.memory_space<hbm>> -> memref<32x2x100xi32, #tpu.memory_space<hbm>>
      %dma_wait3A_139 = arith.constant 0 : i32
      %dma_wait3A_140 = arith.constant 0 : i32
      %dma_wait3A_141 = tpu.memref_slice %arg2[%mul3A_2, %dma_wait3A_139, %dma_wait3A_140] : memref<1024x2x100xi32, #tpu.memory_space<hbm>> -> memref<32x2x100xi32, #tpu.memory_space<hbm>>
      tpu.wait_dma2 semaphore(%run_scoped3A : memref<!tpu.dma_semaphore, #tpu.memory_space<semaphore_mem>>) src(%dma_wait3A_141 : memref<32x2x100xi32, #tpu.memory_space<hbm>>) dst(%arg6 : memref<32x2x100xi32, #tpu.memory_space<vmem>>)
      tpu.yield
    }) : () -> ()
    "tpu.region"() ({
      %run_scoped3A = tpu.sem_alloc : memref<!tpu.dma_semaphore, #tpu.memory_space<semaphore_mem>>
      tpu.enqueue_dma source(%arg4 : memref<200x128xf32, #tpu.memory_space<hbm>>) target(%arg7 : memref<200x128xf32, #tpu.memory_space<vmem>>) target_semaphore(%run_scoped3A : memref<!tpu.dma_semaphore, #tpu.memory_space<semaphore_mem>>)
      tpu.wait_dma2 semaphore(%run_scoped3A : memref<!tpu.dma_semaphore, #tpu.memory_space<semaphore_mem>>) src(%arg4 : memref<200x128xf32, #tpu.memory_space<hbm>>) dst(%arg7 : memref<200x128xf32, #tpu.memory_space<vmem>>)
      tpu.yield
    }) : () -> ()
    %dma_start3A = arith.constant 0 : i32
    %dma_start3A_3 = arith.constant 0 : i32
    %dma_start3A_4 = arith.constant 0 : i32
    %dma_start3A_5 = arith.constant 0 : i32
    %dma_start3A_6 = arith.constant 0 : i32
    %dma_start3A_7 = arith.constant 0 : i32
    %dma_start3A_8 = tpu.memref_slice %arg8[%dma_start3A_4, %dma_start3A_6, %dma_start3A_7] : memref<3x200x128xf32, #tpu.memory_space<vmem>> -> memref<1x100x128xf32, #tpu.memory_space<vmem>>
    %dma_start3A_9 = tpu.memref_squeeze %dma_start3A_8 : memref<1x100x128xf32, #tpu.memory_space<vmem>> -> memref<100x128xf32, #tpu.memory_space<vmem>>
    %dma_start3A_10 = arith.constant 0 : i32
    %dma_start3A_11 = tpu.memref_slice %arg6[%dma_start3A, %dma_start3A_3, %dma_start3A_10] : memref<32x2x100xi32, #tpu.memory_space<vmem>> -> memref<1x1x100xi32, #tpu.memory_space<vmem>>
    %dma_start3A_12 = tpu.memref_squeeze %dma_start3A_11 : memref<1x1x100xi32, #tpu.memory_space<vmem>> -> memref<100xi32, #tpu.memory_space<vmem>>
    %dma_start3A_13 = arith.constant 0 : i32
    %dma_start3A_14 = arith.constant 0 : i32
    %dma_start3A_15 = tpu.memref_slice %arg3[%dma_start3A_13, %dma_start3A_14] : memref<100000x128xf32, #tpu.memory_space<hbm>> -> memref<100000x128xf32, #tpu.memory_space<hbm>>
    %dma_start3A_16 = tpu.memref_slice %arg9[%dma_start3A_5] : memref<3x!tpu.dma_semaphore, #tpu.memory_space<semaphore_mem>> -> memref<1x!tpu.dma_semaphore, #tpu.memory_space<semaphore_mem>>
    %dma_start3A_17 = tpu.memref_squeeze %dma_start3A_16 : memref<1x!tpu.dma_semaphore, #tpu.memory_space<semaphore_mem>> -> memref<!tpu.dma_semaphore, #tpu.memory_space<semaphore_mem>>
    tpu.enqueue_indirect_dma source(%dma_start3A_15 : memref<100000x128xf32, #tpu.memory_space<hbm>>) target(%dma_start3A_9 : memref<100x128xf32, #tpu.memory_space<vmem>>) offsets(%dma_start3A_12 : memref<100xi32, #tpu.memory_space<vmem>>) semaphore(%dma_start3A_17 : memref<!tpu.dma_semaphore, #tpu.memory_space<semaphore_mem>>)
    %dma_start3A_18 = arith.constant 0 : i32
    %dma_start3A_19 = arith.constant 1 : i32
    %dma_start3A_20 = arith.constant 0 : i32
    %dma_start3A_21 = arith.constant 0 : i32
    %dma_start3A_22 = arith.constant 100 : i32
    %dma_start3A_23 = arith.constant 0 : i32
    %dma_start3A_24 = tpu.memref_slice %arg8[%dma_start3A_20, %dma_start3A_22, %dma_start3A_23] : memref<3x200x128xf32, #tpu.memory_space<vmem>> -> memref<1x100x128xf32, #tpu.memory_space<vmem>>
    %dma_start3A_25 = tpu.memref_squeeze %dma_start3A_24 : memref<1x100x128xf32, #tpu.memory_space<vmem>> -> memref<100x128xf32, #tpu.memory_space<vmem>>
    %dma_start3A_26 = arith.constant 0 : i32
    %dma_start3A_27 = tpu.memref_slice %arg6[%dma_start3A_18, %dma_start3A_19, %dma_start3A_26] : memref<32x2x100xi32, #tpu.memory_space<vmem>> -> memref<1x1x100xi32, #tpu.memory_space<vmem>>
    %dma_start3A_28 = tpu.memref_squeeze %dma_start3A_27 : memref<1x1x100xi32, #tpu.memory_space<vmem>> -> memref<100xi32, #tpu.memory_space<vmem>>
    %dma_start3A_29 = arith.constant 0 : i32
    %dma_start3A_30 = arith.constant 0 : i32
    %dma_start3A_31 = tpu.memref_slice %arg3[%dma_start3A_29, %dma_start3A_30] : memref<100000x128xf32, #tpu.memory_space<hbm>> -> memref<100000x128xf32, #tpu.memory_space<hbm>>
    %dma_start3A_32 = tpu.memref_slice %arg9[%dma_start3A_21] : memref<3x!tpu.dma_semaphore, #tpu.memory_space<semaphore_mem>> -> memref<1x!tpu.dma_semaphore, #tpu.memory_space<semaphore_mem>>
    %dma_start3A_33 = tpu.memref_squeeze %dma_start3A_32 : memref<1x!tpu.dma_semaphore, #tpu.memory_space<semaphore_mem>> -> memref<!tpu.dma_semaphore, #tpu.memory_space<semaphore_mem>>
    tpu.enqueue_indirect_dma source(%dma_start3A_31 : memref<100000x128xf32, #tpu.memory_space<hbm>>) target(%dma_start3A_25 : memref<100x128xf32, #tpu.memory_space<vmem>>) offsets(%dma_start3A_28 : memref<100xi32, #tpu.memory_space<vmem>>) semaphore(%dma_start3A_33 : memref<!tpu.dma_semaphore, #tpu.memory_space<semaphore_mem>>)
    %dma_start3A_34 = arith.constant 1 : i32
    %dma_start3A_35 = arith.constant 0 : i32
    %dma_start3A_36 = arith.constant 1 : i32
    %dma_start3A_37 = arith.constant 1 : i32
    %dma_start3A_38 = arith.constant 0 : i32
    %dma_start3A_39 = arith.constant 0 : i32
    %dma_start3A_40 = tpu.memref_slice %arg8[%dma_start3A_36, %dma_start3A_38, %dma_start3A_39] : memref<3x200x128xf32, #tpu.memory_space<vmem>> -> memref<1x100x128xf32, #tpu.memory_space<vmem>>
    %dma_start3A_41 = tpu.memref_squeeze %dma_start3A_40 : memref<1x100x128xf32, #tpu.memory_space<vmem>> -> memref<100x128xf32, #tpu.memory_space<vmem>>
    %dma_start3A_42 = arith.constant 0 : i32
    %dma_start3A_43 = tpu.memref_slice %arg6[%dma_start3A_34, %dma_start3A_35, %dma_start3A_42] : memref<32x2x100xi32, #tpu.memory_space<vmem>> -> memref<1x1x100xi32, #tpu.memory_space<vmem>>
    %dma_start3A_44 = tpu.memref_squeeze %dma_start3A_43 : memref<1x1x100xi32, #tpu.memory_space<vmem>> -> memref<100xi32, #tpu.memory_space<vmem>>
    %dma_start3A_45 = arith.constant 0 : i32
    %dma_start3A_46 = arith.constant 0 : i32
    %dma_start3A_47 = tpu.memref_slice %arg3[%dma_start3A_45, %dma_start3A_46] : memref<100000x128xf32, #tpu.memory_space<hbm>> -> memref<100000x128xf32, #tpu.memory_space<hbm>>
    %dma_start3A_48 = tpu.memref_slice %arg9[%dma_start3A_37] : memref<3x!tpu.dma_semaphore, #tpu.memory_space<semaphore_mem>> -> memref<1x!tpu.dma_semaphore, #tpu.memory_space<semaphore_mem>>
    %dma_start3A_49 = tpu.memref_squeeze %dma_start3A_48 : memref<1x!tpu.dma_semaphore, #tpu.memory_space<semaphore_mem>> -> memref<!tpu.dma_semaphore, #tpu.memory_space<semaphore_mem>>
    tpu.enqueue_indirect_dma source(%dma_start3A_47 : memref<100000x128xf32, #tpu.memory_space<hbm>>) target(%dma_start3A_41 : memref<100x128xf32, #tpu.memory_space<vmem>>) offsets(%dma_start3A_44 : memref<100xi32, #tpu.memory_space<vmem>>) semaphore(%dma_start3A_49 : memref<!tpu.dma_semaphore, #tpu.memory_space<semaphore_mem>>)
    %dma_start3A_50 = arith.constant 1 : i32
    %dma_start3A_51 = arith.constant 1 : i32
    %dma_start3A_52 = arith.constant 1 : i32
    %dma_start3A_53 = arith.constant 1 : i32
    %dma_start3A_54 = arith.constant 100 : i32
    %dma_start3A_55 = arith.constant 0 : i32
    %dma_start3A_56 = tpu.memref_slice %arg8[%dma_start3A_52, %dma_start3A_54, %dma_start3A_55] : memref<3x200x128xf32, #tpu.memory_space<vmem>> -> memref<1x100x128xf32, #tpu.memory_space<vmem>>
    %dma_start3A_57 = tpu.memref_squeeze %dma_start3A_56 : memref<1x100x128xf32, #tpu.memory_space<vmem>> -> memref<100x128xf32, #tpu.memory_space<vmem>>
    %dma_start3A_58 = arith.constant 0 : i32
    %dma_start3A_59 = tpu.memref_slice %arg6[%dma_start3A_50, %dma_start3A_51, %dma_start3A_58] : memref<32x2x100xi32, #tpu.memory_space<vmem>> -> memref<1x1x100xi32, #tpu.memory_space<vmem>>
    %dma_start3A_60 = tpu.memref_squeeze %dma_start3A_59 : memref<1x1x100xi32, #tpu.memory_space<vmem>> -> memref<100xi32, #tpu.memory_space<vmem>>
    %dma_start3A_61 = arith.constant 0 : i32
    %dma_start3A_62 = arith.constant 0 : i32
    %dma_start3A_63 = tpu.memref_slice %arg3[%dma_start3A_61, %dma_start3A_62] : memref<100000x128xf32, #tpu.memory_space<hbm>> -> memref<100000x128xf32, #tpu.memory_space<hbm>>
    %dma_start3A_64 = tpu.memref_slice %arg9[%dma_start3A_53] : memref<3x!tpu.dma_semaphore, #tpu.memory_space<semaphore_mem>> -> memref<1x!tpu.dma_semaphore, #tpu.memory_space<semaphore_mem>>
    %dma_start3A_65 = tpu.memref_squeeze %dma_start3A_64 : memref<1x!tpu.dma_semaphore, #tpu.memory_space<semaphore_mem>> -> memref<!tpu.dma_semaphore, #tpu.memory_space<semaphore_mem>>
    tpu.enqueue_indirect_dma source(%dma_start3A_63 : memref<100000x128xf32, #tpu.memory_space<hbm>>) target(%dma_start3A_57 : memref<100x128xf32, #tpu.memory_space<vmem>>) offsets(%dma_start3A_60 : memref<100xi32, #tpu.memory_space<vmem>>) semaphore(%dma_start3A_65 : memref<!tpu.dma_semaphore, #tpu.memory_space<semaphore_mem>>)
    %scan3A = arith.constant 0 : i32
    %scan3A_66 = arith.constant 0 : i32
    %scan3A_67 = arith.constant 32 : i32
    %scan3A_68 = arith.addi %scan3A_66, %scan3A_67 : i32
    %scan3A_69 = arith.constant 1 : i32
    scf.for %scan3A_130 = %scan3A_66 to %scan3A_68 step %scan3A_69  : i32 {
      %jit3A = arith.constant 3 : i32
      %eq3A = arith.constant 0 : i32
      %eq3A_131 = arith.cmpi eq, %jit3A, %eq3A : i32
      %jit3A_132 = arith.constant 1 : i32
      %select_n3A = arith.select %eq3A_131, %jit3A_132, %jit3A : i32
      %rem3A = arith.remsi %scan3A_130, %select_n3A : i32
      %ne3A = arith.constant 0 : i32
      %ne3A_133 = arith.cmpi ne, %rem3A, %ne3A : i32
      %lt3A = arith.constant 0 : i32
      %lt3A_134 = arith.cmpi slt, %rem3A, %lt3A : i32
      %lt3A_135 = arith.constant 0 : i32
      %lt3A_136 = arith.cmpi slt, %select_n3A, %lt3A_135 : i32
      %ne3A_137 = arith.xori %lt3A_134, %lt3A_136 : i1
      %and3A = arith.andi %ne3A_137, %ne3A_133 : i1
      %add3A_138 = arith.addi %rem3A, %select_n3A : i32
      %select_n3A_139 = arith.select %and3A, %add3A_138, %rem3A : i32
      %jit3A_140 = arith.constant 3 : i32
      %eq3A_141 = arith.constant 0 : i32
      %eq3A_142 = arith.cmpi eq, %jit3A_140, %eq3A_141 : i32
      %jit3A_143 = arith.constant 1 : i32
      %select_n3A_144 = arith.select %eq3A_142, %jit3A_143, %jit3A_140 : i32
      %rem3A_145 = arith.remsi %scan3A_130, %select_n3A_144 : i32
      %ne3A_146 = arith.constant 0 : i32
      %ne3A_147 = arith.cmpi ne, %rem3A_145, %ne3A_146 : i32
      %lt3A_148 = arith.constant 0 : i32
      %lt3A_149 = arith.cmpi slt, %rem3A_145, %lt3A_148 : i32
      %lt3A_150 = arith.constant 0 : i32
      %lt3A_151 = arith.cmpi slt, %select_n3A_144, %lt3A_150 : i32
      %ne3A_152 = arith.xori %lt3A_149, %lt3A_151 : i1
      %and3A_153 = arith.andi %ne3A_152, %ne3A_147 : i1
      %add3A_154 = arith.addi %rem3A_145, %select_n3A_144 : i32
      %select_n3A_155 = arith.select %and3A_153, %add3A_154, %rem3A_145 : i32
      %dma_wait3A_156 = arith.constant 0 : i32
      %dma_wait3A_157 = arith.constant 0 : i32
      %dma_wait3A_158 = arith.constant 0 : i32
      %dma_wait3A_159 = tpu.memref_slice %arg8[%select_n3A_155, %dma_wait3A_157, %dma_wait3A_158] : memref<3x200x128xf32, #tpu.memory_space<vmem>> -> memref<1x100x128xf32, #tpu.memory_space<vmem>>
      %dma_wait3A_160 = tpu.memref_squeeze %dma_wait3A_159 : memref<1x100x128xf32, #tpu.memory_space<vmem>> -> memref<100x128xf32, #tpu.memory_space<vmem>>
      %dma_wait3A_161 = arith.constant 0 : i32
      %dma_wait3A_162 = tpu.memref_slice %arg6[%scan3A_130, %dma_wait3A_156, %dma_wait3A_161] : memref<32x2x100xi32, #tpu.memory_space<vmem>> -> memref<1x1x100xi32, #tpu.memory_space<vmem>>
      %dma_wait3A_163 = tpu.memref_squeeze %dma_wait3A_162 : memref<1x1x100xi32, #tpu.memory_space<vmem>> -> memref<100xi32, #tpu.memory_space<vmem>>
      %dma_wait3A_164 = arith.constant 0 : i32
      %dma_wait3A_165 = arith.constant 0 : i32
      %dma_wait3A_166 = tpu.memref_slice %arg3[%dma_wait3A_164, %dma_wait3A_165] : memref<100000x128xf32, #tpu.memory_space<hbm>> -> memref<100000x128xf32, #tpu.memory_space<hbm>>
      %dma_wait3A_167 = tpu.memref_slice %arg9[%select_n3A_155] : memref<3x!tpu.dma_semaphore, #tpu.memory_space<semaphore_mem>> -> memref<1x!tpu.dma_semaphore, #tpu.memory_space<semaphore_mem>>
      %dma_wait3A_168 = tpu.memref_squeeze %dma_wait3A_167 : memref<1x!tpu.dma_semaphore, #tpu.memory_space<semaphore_mem>> -> memref<!tpu.dma_semaphore, #tpu.memory_space<semaphore_mem>>
      tpu.wait_indirect_dma semaphore(%dma_wait3A_168 : memref<!tpu.dma_semaphore, #tpu.memory_space<semaphore_mem>>) src(%dma_wait3A_166 : memref<100000x128xf32, #tpu.memory_space<hbm>>) dst(%dma_wait3A_160 : memref<100x128xf32, #tpu.memory_space<vmem>>)
      %jit3A_169 = arith.constant 3 : i32
      %eq3A_170 = arith.constant 0 : i32
      %eq3A_171 = arith.cmpi eq, %jit3A_169, %eq3A_170 : i32
      %jit3A_172 = arith.constant 1 : i32
      %select_n3A_173 = arith.select %eq3A_171, %jit3A_172, %jit3A_169 : i32
      %rem3A_174 = arith.remsi %scan3A_130, %select_n3A_173 : i32
      %ne3A_175 = arith.constant 0 : i32
      %ne3A_176 = arith.cmpi ne, %rem3A_174, %ne3A_175 : i32
      %lt3A_177 = arith.constant 0 : i32
      %lt3A_178 = arith.cmpi slt, %rem3A_174, %lt3A_177 : i32
      %lt3A_179 = arith.constant 0 : i32
      %lt3A_180 = arith.cmpi slt, %select_n3A_173, %lt3A_179 : i32
      %ne3A_181 = arith.xori %lt3A_178, %lt3A_180 : i1
      %and3A_182 = arith.andi %ne3A_181, %ne3A_176 : i1
      %add3A_183 = arith.addi %rem3A_174, %select_n3A_173 : i32
      %select_n3A_184 = arith.select %and3A_182, %add3A_183, %rem3A_174 : i32
      %dma_wait3A_185 = arith.constant 1 : i32
      %dma_wait3A_186 = arith.constant 100 : i32
      %dma_wait3A_187 = arith.constant 0 : i32
      %dma_wait3A_188 = tpu.memref_slice %arg8[%select_n3A_184, %dma_wait3A_186, %dma_wait3A_187] : memref<3x200x128xf32, #tpu.memory_space<vmem>> -> memref<1x100x128xf32, #tpu.memory_space<vmem>>
      %dma_wait3A_189 = tpu.memref_squeeze %dma_wait3A_188 : memref<1x100x128xf32, #tpu.memory_space<vmem>> -> memref<100x128xf32, #tpu.memory_space<vmem>>
      %dma_wait3A_190 = arith.constant 0 : i32
      %dma_wait3A_191 = tpu.memref_slice %arg6[%scan3A_130, %dma_wait3A_185, %dma_wait3A_190] : memref<32x2x100xi32, #tpu.memory_space<vmem>> -> memref<1x1x100xi32, #tpu.memory_space<vmem>>
      %dma_wait3A_192 = tpu.memref_squeeze %dma_wait3A_191 : memref<1x1x100xi32, #tpu.memory_space<vmem>> -> memref<100xi32, #tpu.memory_space<vmem>>
      %dma_wait3A_193 = arith.constant 0 : i32
      %dma_wait3A_194 = arith.constant 0 : i32
      %dma_wait3A_195 = tpu.memref_slice %arg3[%dma_wait3A_193, %dma_wait3A_194] : memref<100000x128xf32, #tpu.memory_space<hbm>> -> memref<100000x128xf32, #tpu.memory_space<hbm>>
      %dma_wait3A_196 = tpu.memref_slice %arg9[%select_n3A_184] : memref<3x!tpu.dma_semaphore, #tpu.memory_space<semaphore_mem>> -> memref<1x!tpu.dma_semaphore, #tpu.memory_space<semaphore_mem>>
      %dma_wait3A_197 = tpu.memref_squeeze %dma_wait3A_196 : memref<1x!tpu.dma_semaphore, #tpu.memory_space<semaphore_mem>> -> memref<!tpu.dma_semaphore, #tpu.memory_space<semaphore_mem>>
      tpu.wait_indirect_dma semaphore(%dma_wait3A_197 : memref<!tpu.dma_semaphore, #tpu.memory_space<semaphore_mem>>) src(%dma_wait3A_195 : memref<100000x128xf32, #tpu.memory_space<hbm>>) dst(%dma_wait3A_189 : memref<100x128xf32, #tpu.memory_space<vmem>>)
      %parallel_loop3A = arith.constant 0 : i32
      %parallel_loop3A_198 = arith.constant 200 : i32
      %parallel_loop3A_199 = arith.constant 1 : i32
      scf.for %parallel_loop3A_240 = %parallel_loop3A to %parallel_loop3A_198 step %parallel_loop3A_199  : i32 {
        %parallel_loop3A_241 = arith.index_cast %parallel_loop3A_240 : i32 to index
        %parallel_loop3A_242 = arith.constant 0 : index
        %parallel_loop3A_243 = tpu.vector_load %arg7[%parallel_loop3A_241, %parallel_loop3A_242] {strides = array<i32>} : memref<200x128xf32, #tpu.memory_space<vmem>>, vector<1x16xf32>,
        %parallel_loop3A_244 = vector.shape_cast %parallel_loop3A_243 : vector<1x16xf32> to vector<16xf32>
        %parallel_loop3A_245 = arith.index_cast %parallel_loop3A_240 : i32 to index
        %parallel_loop3A_246 = arith.constant 16 : index
        %parallel_loop3A_247 = tpu.vector_load %arg7[%parallel_loop3A_245, %parallel_loop3A_246] {strides = array<i32>} : memref<200x128xf32, #tpu.memory_space<vmem>>, vector<1x16xf32>,
        %parallel_loop3A_248 = vector.shape_cast %parallel_loop3A_247 : vector<1x16xf32> to vector<16xf32>
        %parallel_loop3A_249 = arith.index_cast %parallel_loop3A_240 : i32 to index
        %parallel_loop3A_250 = arith.constant 32 : index
        %parallel_loop3A_251 = tpu.vector_load %arg7[%parallel_loop3A_249, %parallel_loop3A_250] {strides = array<i32>} : memref<200x128xf32, #tpu.memory_space<vmem>>, vector<1x16xf32>,
        %parallel_loop3A_252 = vector.shape_cast %parallel_loop3A_251 : vector<1x16xf32> to vector<16xf32>
        %parallel_loop3A_253 = arith.index_cast %parallel_loop3A_240 : i32 to index
        %parallel_loop3A_254 = arith.constant 48 : index
        %parallel_loop3A_255 = tpu.vector_load %arg7[%parallel_loop3A_253, %parallel_loop3A_254] {strides = array<i32>} : memref<200x128xf32, #tpu.memory_space<vmem>>, vector<1x16xf32>,
        %parallel_loop3A_256 = vector.shape_cast %parallel_loop3A_255 : vector<1x16xf32> to vector<16xf32>
        %parallel_loop3A_257 = arith.index_cast %parallel_loop3A_240 : i32 to index
        %parallel_loop3A_258 = arith.constant 64 : index
        %parallel_loop3A_259 = tpu.vector_load %arg7[%parallel_loop3A_257, %parallel_loop3A_258] {strides = array<i32>} : memref<200x128xf32, #tpu.memory_space<vmem>>, vector<1x16xf32>,
        %parallel_loop3A_260 = vector.shape_cast %parallel_loop3A_259 : vector<1x16xf32> to vector<16xf32>
        %parallel_loop3A_261 = arith.index_cast %parallel_loop3A_240 : i32 to index
        %parallel_loop3A_262 = arith.constant 80 : index
        %parallel_loop3A_263 = tpu.vector_load %arg7[%parallel_loop3A_261, %parallel_loop3A_262] {strides = array<i32>} : memref<200x128xf32, #tpu.memory_space<vmem>>, vector<1x16xf32>,
        %parallel_loop3A_264 = vector.shape_cast %parallel_loop3A_263 : vector<1x16xf32> to vector<16xf32>
        %parallel_loop3A_265 = arith.index_cast %parallel_loop3A_240 : i32 to index
        %parallel_loop3A_266 = arith.constant 96 : index
        %parallel_loop3A_267 = tpu.vector_load %arg7[%parallel_loop3A_265, %parallel_loop3A_266] {strides = array<i32>} : memref<200x128xf32, #tpu.memory_space<vmem>>, vector<1x16xf32>,
        %parallel_loop3A_268 = vector.shape_cast %parallel_loop3A_267 : vector<1x16xf32> to vector<16xf32>
        %parallel_loop3A_269 = arith.index_cast %parallel_loop3A_240 : i32 to index
        %parallel_loop3A_270 = arith.constant 112 : index
        %parallel_loop3A_271 = tpu.vector_load %arg7[%parallel_loop3A_269, %parallel_loop3A_270] {strides = array<i32>} : memref<200x128xf32, #tpu.memory_space<vmem>>, vector<1x16xf32>,
        %parallel_loop3A_272 = vector.shape_cast %parallel_loop3A_271 : vector<1x16xf32> to vector<16xf32>
        %parallel_loop3A_273 = arith.index_cast %select_n3A_139 : i32 to index
        %parallel_loop3A_274 = arith.index_cast %parallel_loop3A_240 : i32 to index
        %parallel_loop3A_275 = arith.constant 0 : index
        %parallel_loop3A_276 = tpu.vector_load %arg8[%parallel_loop3A_273, %parallel_loop3A_274, %parallel_loop3A_275] {strides = array<i32>} : memref<3x200x128xf32, #tpu.memory_space<vmem>>, vector<1x1x16xf32>,
        %parallel_loop3A_277 = vector.shape_cast %parallel_loop3A_276 : vector<1x1x16xf32> to vector<16xf32>
        %parallel_loop3A_278 = vector.shape_cast %parallel_loop3A_244 : vector<16xf32> to vector<1x1x16xf32>
        tpu.vector_store %arg8[%parallel_loop3A_273, %parallel_loop3A_274, %parallel_loop3A_275], %parallel_loop3A_278 {add = true, strides = array<i32>} : memref<3x200x128xf32, #tpu.memory_space<vmem>>, vector<1x1x16xf32>,
        %parallel_loop3A_279 = arith.index_cast %select_n3A_139 : i32 to index
        %parallel_loop3A_280 = arith.index_cast %parallel_loop3A_240 : i32 to index
        %parallel_loop3A_281 = arith.constant 16 : index
        %parallel_loop3A_282 = tpu.vector_load %arg8[%parallel_loop3A_279, %parallel_loop3A_280, %parallel_loop3A_281] {strides = array<i32>} : memref<3x200x128xf32, #tpu.memory_space<vmem>>, vector<1x1x16xf32>,
        %parallel_loop3A_283 = vector.shape_cast %parallel_loop3A_282 : vector<1x1x16xf32> to vector<16xf32>
        %parallel_loop3A_284 = vector.shape_cast %parallel_loop3A_248 : vector<16xf32> to vector<1x1x16xf32>
        tpu.vector_store %arg8[%parallel_loop3A_279, %parallel_loop3A_280, %parallel_loop3A_281], %parallel_loop3A_284 {add = true, strides = array<i32>} : memref<3x200x128xf32, #tpu.memory_space<vmem>>, vector<1x1x16xf32>,
        %parallel_loop3A_285 = arith.index_cast %select_n3A_139 : i32 to index
        %parallel_loop3A_286 = arith.index_cast %parallel_loop3A_240 : i32 to index
        %parallel_loop3A_287 = arith.constant 32 : index
        %parallel_loop3A_288 = tpu.vector_load %arg8[%parallel_loop3A_285, %parallel_loop3A_286, %parallel_loop3A_287] {strides = array<i32>} : memref<3x200x128xf32, #tpu.memory_space<vmem>>, vector<1x1x16xf32>,
        %parallel_loop3A_289 = vector.shape_cast %parallel_loop3A_288 : vector<1x1x16xf32> to vector<16xf32>
        %parallel_loop3A_290 = vector.shape_cast %parallel_loop3A_252 : vector<16xf32> to vector<1x1x16xf32>
        tpu.vector_store %arg8[%parallel_loop3A_285, %parallel_loop3A_286, %parallel_loop3A_287], %parallel_loop3A_290 {add = true, strides = array<i32>} : memref<3x200x128xf32, #tpu.memory_space<vmem>>, vector<1x1x16xf32>,
        %parallel_loop3A_291 = arith.index_cast %select_n3A_139 : i32 to index
        %parallel_loop3A_292 = arith.index_cast %parallel_loop3A_240 : i32 to index
        %parallel_loop3A_293 = arith.constant 48 : index
        %parallel_loop3A_294 = tpu.vector_load %arg8[%parallel_loop3A_291, %parallel_loop3A_292, %parallel_loop3A_293] {strides = array<i32>} : memref<3x200x128xf32, #tpu.memory_space<vmem>>, vector<1x1x16xf32>,
        %parallel_loop3A_295 = vector.shape_cast %parallel_loop3A_294 : vector<1x1x16xf32> to vector<16xf32>
        %parallel_loop3A_296 = vector.shape_cast %parallel_loop3A_256 : vector<16xf32> to vector<1x1x16xf32>
        tpu.vector_store %arg8[%parallel_loop3A_291, %parallel_loop3A_292, %parallel_loop3A_293], %parallel_loop3A_296 {add = true, strides = array<i32>} : memref<3x200x128xf32, #tpu.memory_space<vmem>>, vector<1x1x16xf32>,
        %parallel_loop3A_297 = arith.index_cast %select_n3A_139 : i32 to index
        %parallel_loop3A_298 = arith.index_cast %parallel_loop3A_240 : i32 to index
        %parallel_loop3A_299 = arith.constant 64 : index
        %parallel_loop3A_300 = tpu.vector_load %arg8[%parallel_loop3A_297, %parallel_loop3A_298, %parallel_loop3A_299] {strides = array<i32>} : memref<3x200x128xf32, #tpu.memory_space<vmem>>, vector<1x1x16xf32>,
        %parallel_loop3A_301 = vector.shape_cast %parallel_loop3A_300 : vector<1x1x16xf32> to vector<16xf32>
        %parallel_loop3A_302 = vector.shape_cast %parallel_loop3A_260 : vector<16xf32> to vector<1x1x16xf32>
        tpu.vector_store %arg8[%parallel_loop3A_297, %parallel_loop3A_298, %parallel_loop3A_299], %parallel_loop3A_302 {add = true, strides = array<i32>} : memref<3x200x128xf32, #tpu.memory_space<vmem>>, vector<1x1x16xf32>,
        %parallel_loop3A_303 = arith.index_cast %select_n3A_139 : i32 to index
        %parallel_loop3A_304 = arith.index_cast %parallel_loop3A_240 : i32 to index
        %parallel_loop3A_305 = arith.constant 80 : index
        %parallel_loop3A_306 = tpu.vector_load %arg8[%parallel_loop3A_303, %parallel_loop3A_304, %parallel_loop3A_305] {strides = array<i32>} : memref<3x200x128xf32, #tpu.memory_space<vmem>>, vector<1x1x16xf32>,
        %parallel_loop3A_307 = vector.shape_cast %parallel_loop3A_306 : vector<1x1x16xf32> to vector<16xf32>
        %parallel_loop3A_308 = vector.shape_cast %parallel_loop3A_264 : vector<16xf32> to vector<1x1x16xf32>
        tpu.vector_store %arg8[%parallel_loop3A_303, %parallel_loop3A_304, %parallel_loop3A_305], %parallel_loop3A_308 {add = true, strides = array<i32>} : memref<3x200x128xf32, #tpu.memory_space<vmem>>, vector<1x1x16xf32>,
        %parallel_loop3A_309 = arith.index_cast %select_n3A_139 : i32 to index
        %parallel_loop3A_310 = arith.index_cast %parallel_loop3A_240 : i32 to index
        %parallel_loop3A_311 = arith.constant 96 : index
        %parallel_loop3A_312 = tpu.vector_load %arg8[%parallel_loop3A_309, %parallel_loop3A_310, %parallel_loop3A_311] {strides = array<i32>} : memref<3x200x128xf32, #tpu.memory_space<vmem>>, vector<1x1x16xf32>,
        %parallel_loop3A_313 = vector.shape_cast %parallel_loop3A_312 : vector<1x1x16xf32> to vector<16xf32>
        %parallel_loop3A_314 = vector.shape_cast %parallel_loop3A_268 : vector<16xf32> to vector<1x1x16xf32>
        tpu.vector_store %arg8[%parallel_loop3A_309, %parallel_loop3A_310, %parallel_loop3A_311], %parallel_loop3A_314 {add = true, strides = array<i32>} : memref<3x200x128xf32, #tpu.memory_space<vmem>>, vector<1x1x16xf32>,
        %parallel_loop3A_315 = arith.index_cast %select_n3A_139 : i32 to index
        %parallel_loop3A_316 = arith.index_cast %parallel_loop3A_240 : i32 to index
        %parallel_loop3A_317 = arith.constant 112 : index
        %parallel_loop3A_318 = tpu.vector_load %arg8[%parallel_loop3A_315, %parallel_loop3A_316, %parallel_loop3A_317] {strides = array<i32>} : memref<3x200x128xf32, #tpu.memory_space<vmem>>, vector<1x1x16xf32>,
        %parallel_loop3A_319 = vector.shape_cast %parallel_loop3A_318 : vector<1x1x16xf32> to vector<16xf32>
        %parallel_loop3A_320 = vector.shape_cast %parallel_loop3A_272 : vector<16xf32> to vector<1x1x16xf32>
        tpu.vector_store %arg8[%parallel_loop3A_315, %parallel_loop3A_316, %parallel_loop3A_317], %parallel_loop3A_320 {add = true, strides = array<i32>} : memref<3x200x128xf32, #tpu.memory_space<vmem>>, vector<1x1x16xf32>,
      } {sc.loop_unroll_factor = 4 : i64, sc.parallel_access}
      %jit3A_200 = arith.constant 3 : i32
      %eq3A_201 = arith.constant 0 : i32
      %eq3A_202 = arith.cmpi eq, %jit3A_200, %eq3A_201 : i32
      %jit3A_203 = arith.constant 1 : i32
      %select_n3A_204 = arith.select %eq3A_202, %jit3A_203, %jit3A_200 : i32
      %rem3A_205 = arith.remsi %scan3A_130, %select_n3A_204 : i32
      %ne3A_206 = arith.constant 0 : i32
      %ne3A_207 = arith.cmpi ne, %rem3A_205, %ne3A_206 : i32
      %lt3A_208 = arith.constant 0 : i32
      %lt3A_209 = arith.cmpi slt, %rem3A_205, %lt3A_208 : i32
      %lt3A_210 = arith.constant 0 : i32
      %lt3A_211 = arith.cmpi slt, %select_n3A_204, %lt3A_210 : i32
      %ne3A_212 = arith.xori %lt3A_209, %lt3A_211 : i1
      %and3A_213 = arith.andi %ne3A_212, %ne3A_207 : i1
      %add3A_214 = arith.addi %rem3A_205, %select_n3A_204 : i32
      %select_n3A_215 = arith.select %and3A_213, %add3A_214, %rem3A_205 : i32
      %mul3A_216 = arith.constant 6400 : i32
      %mul3A_217 = arith.muli %add3A, %mul3A_216 : i32
      %mul3A_218 = arith.constant 200 : i32
      %mul3A_219 = arith.muli %scan3A_130, %mul3A_218 : i32
      %add3A_220 = arith.addi %mul3A_217, %mul3A_219 : i32
      %dma_start3A_221 = arith.constant 0 : i32
      %dma_start3A_222 = arith.constant 0 : i32
      %dma_start3A_223 = tpu.memref_slice %arg8[%select_n3A_215, %dma_start3A_221, %dma_start3A_222] : memref<3x200x128xf32, #tpu.memory_space<vmem>> -> memref<1x200x128xf32, #tpu.memory_space<vmem>>
      %dma_start3A_224 = tpu.memref_squeeze %dma_start3A_223 : memref<1x200x128xf32, #tpu.memory_space<vmem>> -> memref<200x128xf32, #tpu.memory_space<vmem>>
      %dma_start3A_225 = arith.constant 0 : i32
      %dma_start3A_226 = tpu.memref_slice %arg5[%add3A_220, %dma_start3A_225] : memref<204800x128xf32, #tpu.memory_space<hbm>> -> memref<200x128xf32, #tpu.memory_space<hbm>>
      %dma_start3A_227 = tpu.memref_slice %arg10[%select_n3A_215] : memref<3x!tpu.dma_semaphore, #tpu.memory_space<semaphore_mem>> -> memref<1x!tpu.dma_semaphore, #tpu.memory_space<semaphore_mem>>
      %dma_start3A_228 = tpu.memref_squeeze %dma_start3A_227 : memref<1x!tpu.dma_semaphore, #tpu.memory_space<semaphore_mem>> -> memref<!tpu.dma_semaphore, #tpu.memory_space<semaphore_mem>>
      %dma_start3A_229 = arith.constant 0 : i32
      %dma_start3A_230 = tpu.memref_slice %arg5[%add3A_220, %dma_start3A_229] : memref<204800x128xf32, #tpu.memory_space<hbm>> -> memref<200x128xf32, #tpu.memory_space<hbm>>
      %dma_start3A_231 = arith.constant 0 : i32
      %dma_start3A_232 = arith.constant 0 : i32
      %dma_start3A_233 = tpu.memref_slice %arg8[%select_n3A_215, %dma_start3A_231, %dma_start3A_232] : memref<3x200x128xf32, #tpu.memory_space<vmem>> -> memref<1x200x128xf32, #tpu.memory_space<vmem>>
      %dma_start3A_234 = tpu.memref_squeeze %dma_start3A_233 : memref<1x200x128xf32, #tpu.memory_space<vmem>> -> memref<200x128xf32, #tpu.memory_space<vmem>>
      tpu.enqueue_dma source(%dma_start3A_234 : memref<200x128xf32, #tpu.memory_space<vmem>>) target(%dma_start3A_230 : memref<200x128xf32, #tpu.memory_space<hbm>>) target_semaphore(%dma_start3A_228 : memref<!tpu.dma_semaphore, #tpu.memory_space<semaphore_mem>>)
      %add3A_235 = arith.constant 2 : i32
      %add3A_236 = arith.addi %scan3A_130, %add3A_235 : i32
      %lt3A_237 = arith.constant 32 : i32
      %lt3A_238 = arith.cmpi slt, %add3A_236, %lt3A_237 : i32
      %convert_element_type3A = arith.extui %lt3A_238 : i1 to i32
      %cond3A = arith.constant 0 : i32
      %cond3A_239 = arith.cmpi ne, %convert_element_type3A, %cond3A : i32
      scf.if %cond3A_239 {
        %ge3A = arith.constant 1 : i32
        %ge3A_240 = arith.cmpi sge, %scan3A_130, %ge3A : i32
        %convert_element_type3A_241 = arith.extui %ge3A_240 : i1 to i32
        %cond3A_242 = arith.constant 0 : i32
        %cond3A_243 = arith.cmpi ne, %convert_element_type3A_241, %cond3A_242 : i32
        scf.if %cond3A_243 {
          %sub3A = arith.constant 1 : i32
          %sub3A_304 = arith.subi %scan3A_130, %sub3A : i32
          %jit3A_305 = arith.constant 3 : i32
          %eq3A_306 = arith.constant 0 : i32
          %eq3A_307 = arith.cmpi eq, %jit3A_305, %eq3A_306 : i32
          %jit3A_308 = arith.constant 1 : i32
          %select_n3A_309 = arith.select %eq3A_307, %jit3A_308, %jit3A_305 : i32
          %rem3A_310 = arith.remsi %sub3A_304, %select_n3A_309 : i32
          %ne3A_311 = arith.constant 0 : i32
          %ne3A_312 = arith.cmpi ne, %rem3A_310, %ne3A_311 : i32
          %lt3A_313 = arith.constant 0 : i32
          %lt3A_314 = arith.cmpi slt, %rem3A_310, %lt3A_313 : i32
          %lt3A_315 = arith.constant 0 : i32
          %lt3A_316 = arith.cmpi slt, %select_n3A_309, %lt3A_315 : i32
          %ne3A_317 = arith.xori %lt3A_314, %lt3A_316 : i1
          %and3A_318 = arith.andi %ne3A_317, %ne3A_312 : i1
          %add3A_319 = arith.addi %rem3A_310, %select_n3A_309 : i32
          %select_n3A_320 = arith.select %and3A_318, %add3A_319, %rem3A_310 : i32
          %mul3A_321 = arith.constant 6400 : i32
          %mul3A_322 = arith.muli %add3A, %mul3A_321 : i32
          %mul3A_323 = arith.constant 200 : i32
          %mul3A_324 = arith.muli %sub3A_304, %mul3A_323 : i32
          %add3A_325 = arith.addi %mul3A_322, %mul3A_324 : i32
          %dma_wait3A_326 = arith.constant 0 : i32
          %dma_wait3A_327 = arith.constant 0 : i32
          %dma_wait3A_328 = tpu.memref_slice %arg8[%select_n3A_320, %dma_wait3A_326, %dma_wait3A_327] : memref<3x200x128xf32, #tpu.memory_space<vmem>> -> memref<1x200x128xf32, #tpu.memory_space<vmem>>
          %dma_wait3A_329 = tpu.memref_squeeze %dma_wait3A_328 : memref<1x200x128xf32, #tpu.memory_space<vmem>> -> memref<200x128xf32, #tpu.memory_space<vmem>>
          %dma_wait3A_330 = arith.constant 0 : i32
          %dma_wait3A_331 = tpu.memref_slice %arg5[%add3A_325, %dma_wait3A_330] : memref<204800x128xf32, #tpu.memory_space<hbm>> -> memref<200x128xf32, #tpu.memory_space<hbm>>
          %dma_wait3A_332 = tpu.memref_slice %arg10[%select_n3A_320] : memref<3x!tpu.dma_semaphore, #tpu.memory_space<semaphore_mem>> -> memref<1x!tpu.dma_semaphore, #tpu.memory_space<semaphore_mem>>
          %dma_wait3A_333 = tpu.memref_squeeze %dma_wait3A_332 : memref<1x!tpu.dma_semaphore, #tpu.memory_space<semaphore_mem>> -> memref<!tpu.dma_semaphore, #tpu.memory_space<semaphore_mem>>
          %dma_wait3A_334 = arith.constant 0 : i32
          %dma_wait3A_335 = tpu.memref_slice %arg5[%add3A_325, %dma_wait3A_334] : memref<204800x128xf32, #tpu.memory_space<hbm>> -> memref<200x128xf32, #tpu.memory_space<hbm>>
          %dma_wait3A_336 = arith.constant 0 : i32
          %dma_wait3A_337 = arith.constant 0 : i32
          %dma_wait3A_338 = tpu.memref_slice %arg8[%select_n3A_320, %dma_wait3A_336, %dma_wait3A_337] : memref<3x200x128xf32, #tpu.memory_space<vmem>> -> memref<1x200x128xf32, #tpu.memory_space<vmem>>
          %dma_wait3A_339 = tpu.memref_squeeze %dma_wait3A_338 : memref<1x200x128xf32, #tpu.memory_space<vmem>> -> memref<200x128xf32, #tpu.memory_space<vmem>>
          tpu.wait_dma2 semaphore(%dma_wait3A_333 : memref<!tpu.dma_semaphore, #tpu.memory_space<semaphore_mem>>) src(%dma_wait3A_339 : memref<200x128xf32, #tpu.memory_space<vmem>>) dst(%dma_wait3A_335 : memref<200x128xf32, #tpu.memory_space<hbm>>)
        } else {
        }
        %add3A_244 = arith.constant 2 : i32
        %add3A_245 = arith.addi %scan3A_130, %add3A_244 : i32
        %jit3A_246 = arith.constant 3 : i32
        %eq3A_247 = arith.constant 0 : i32
        %eq3A_248 = arith.cmpi eq, %jit3A_246, %eq3A_247 : i32
        %jit3A_249 = arith.constant 1 : i32
        %select_n3A_250 = arith.select %eq3A_248, %jit3A_249, %jit3A_246 : i32
        %rem3A_251 = arith.remsi %add3A_245, %select_n3A_250 : i32
        %ne3A_252 = arith.constant 0 : i32
        %ne3A_253 = arith.cmpi ne, %rem3A_251, %ne3A_252 : i32
        %lt3A_254 = arith.constant 0 : i32
        %lt3A_255 = arith.cmpi slt, %rem3A_251, %lt3A_254 : i32
        %lt3A_256 = arith.constant 0 : i32
        %lt3A_257 = arith.cmpi slt, %select_n3A_250, %lt3A_256 : i32
        %ne3A_258 = arith.xori %lt3A_255, %lt3A_257 : i1
        %and3A_259 = arith.andi %ne3A_258, %ne3A_253 : i1
        %add3A_260 = arith.addi %rem3A_251, %select_n3A_250 : i32
        %select_n3A_261 = arith.select %and3A_259, %add3A_260, %rem3A_251 : i32
        %dma_start3A_262 = arith.constant 0 : i32
        %dma_start3A_263 = arith.constant 0 : i32
        %dma_start3A_264 = arith.constant 0 : i32
        %dma_start3A_265 = tpu.memref_slice %arg8[%select_n3A_261, %dma_start3A_263, %dma_start3A_264] : memref<3x200x128xf32, #tpu.memory_space<vmem>> -> memref<1x100x128xf32, #tpu.memory_space<vmem>>
        %dma_start3A_266 = tpu.memref_squeeze %dma_start3A_265 : memref<1x100x128xf32, #tpu.memory_space<vmem>> -> memref<100x128xf32, #tpu.memory_space<vmem>>
        %dma_start3A_267 = arith.constant 0 : i32
        %dma_start3A_268 = tpu.memref_slice %arg6[%add3A_245, %dma_start3A_262, %dma_start3A_267] : memref<32x2x100xi32, #tpu.memory_space<vmem>> -> memref<1x1x100xi32, #tpu.memory_space<vmem>>
        %dma_start3A_269 = tpu.memref_squeeze %dma_start3A_268 : memref<1x1x100xi32, #tpu.memory_space<vmem>> -> memref<100xi32, #tpu.memory_space<vmem>>
        %dma_start3A_270 = arith.constant 0 : i32
        %dma_start3A_271 = arith.constant 0 : i32
        %dma_start3A_272 = tpu.memref_slice %arg3[%dma_start3A_270, %dma_start3A_271] : memref<100000x128xf32, #tpu.memory_space<hbm>> -> memref<100000x128xf32, #tpu.memory_space<hbm>>
        %dma_start3A_273 = tpu.memref_slice %arg9[%select_n3A_261] : memref<3x!tpu.dma_semaphore, #tpu.memory_space<semaphore_mem>> -> memref<1x!tpu.dma_semaphore, #tpu.memory_space<semaphore_mem>>
        %dma_start3A_274 = tpu.memref_squeeze %dma_start3A_273 : memref<1x!tpu.dma_semaphore, #tpu.memory_space<semaphore_mem>> -> memref<!tpu.dma_semaphore, #tpu.memory_space<semaphore_mem>>
        tpu.enqueue_indirect_dma source(%dma_start3A_272 : memref<100000x128xf32, #tpu.memory_space<hbm>>) target(%dma_start3A_266 : memref<100x128xf32, #tpu.memory_space<vmem>>) offsets(%dma_start3A_269 : memref<100xi32, #tpu.memory_space<vmem>>) semaphore(%dma_start3A_274 : memref<!tpu.dma_semaphore, #tpu.memory_space<semaphore_mem>>)
        %jit3A_275 = arith.constant 3 : i32
        %eq3A_276 = arith.constant 0 : i32
        %eq3A_277 = arith.cmpi eq, %jit3A_275, %eq3A_276 : i32
        %jit3A_278 = arith.constant 1 : i32
        %select_n3A_279 = arith.select %eq3A_277, %jit3A_278, %jit3A_275 : i32
        %rem3A_280 = arith.remsi %add3A_245, %select_n3A_279 : i32
        %ne3A_281 = arith.constant 0 : i32
        %ne3A_282 = arith.cmpi ne, %rem3A_280, %ne3A_281 : i32
        %lt3A_283 = arith.constant 0 : i32
        %lt3A_284 = arith.cmpi slt, %rem3A_280, %lt3A_283 : i32
        %lt3A_285 = arith.constant 0 : i32
        %lt3A_286 = arith.cmpi slt, %select_n3A_279, %lt3A_285 : i32
        %ne3A_287 = arith.xori %lt3A_284, %lt3A_286 : i1
        %and3A_288 = arith.andi %ne3A_287, %ne3A_282 : i1
        %add3A_289 = arith.addi %rem3A_280, %select_n3A_279 : i32
        %select_n3A_290 = arith.select %and3A_288, %add3A_289, %rem3A_280 : i32
        %dma_start3A_291 = arith.constant 1 : i32
        %dma_start3A_292 = arith.constant 100 : i32
        %dma_start3A_293 = arith.constant 0 : i32
        %dma_start3A_294 = tpu.memref_slice %arg8[%select_n3A_290, %dma_start3A_292, %dma_start3A_293] : memref<3x200x128xf32, #tpu.memory_space<vmem>> -> memref<1x100x128xf32, #tpu.memory_space<vmem>>
        %dma_start3A_295 = tpu.memref_squeeze %dma_start3A_294 : memref<1x100x128xf32, #tpu.memory_space<vmem>> -> memref<100x128xf32, #tpu.memory_space<vmem>>
        %dma_start3A_296 = arith.constant 0 : i32
        %dma_start3A_297 = tpu.memref_slice %arg6[%add3A_245, %dma_start3A_291, %dma_start3A_296] : memref<32x2x100xi32, #tpu.memory_space<vmem>> -> memref<1x1x100xi32, #tpu.memory_space<vmem>>
        %dma_start3A_298 = tpu.memref_squeeze %dma_start3A_297 : memref<1x1x100xi32, #tpu.memory_space<vmem>> -> memref<100xi32, #tpu.memory_space<vmem>>
        %dma_start3A_299 = arith.constant 0 : i32
        %dma_start3A_300 = arith.constant 0 : i32
        %dma_start3A_301 = tpu.memref_slice %arg3[%dma_start3A_299, %dma_start3A_300] : memref<100000x128xf32, #tpu.memory_space<hbm>> -> memref<100000x128xf32, #tpu.memory_space<hbm>>
        %dma_start3A_302 = tpu.memref_slice %arg9[%select_n3A_290] : memref<3x!tpu.dma_semaphore, #tpu.memory_space<semaphore_mem>> -> memref<1x!tpu.dma_semaphore, #tpu.memory_space<semaphore_mem>>
        %dma_start3A_303 = tpu.memref_squeeze %dma_start3A_302 : memref<1x!tpu.dma_semaphore, #tpu.memory_space<semaphore_mem>> -> memref<!tpu.dma_semaphore, #tpu.memory_space<semaphore_mem>>
        tpu.enqueue_indirect_dma source(%dma_start3A_301 : memref<100000x128xf32, #tpu.memory_space<hbm>>) target(%dma_start3A_295 : memref<100x128xf32, #tpu.memory_space<vmem>>) offsets(%dma_start3A_298 : memref<100xi32, #tpu.memory_space<vmem>>) semaphore(%dma_start3A_303 : memref<!tpu.dma_semaphore, #tpu.memory_space<semaphore_mem>>)
      } else {
      }
    }
    %scan3A_70 = arith.constant 32 : i32
    %mul3A_71 = arith.constant 6400 : i32
    %mul3A_72 = arith.muli %add3A, %mul3A_71 : i32
    %add3A_73 = arith.constant 5800 : i32
    %add3A_74 = arith.addi %mul3A_72, %add3A_73 : i32
    %dma_wait3A = arith.constant 2 : i32
    %dma_wait3A_75 = arith.constant 2 : i32
    %dma_wait3A_76 = arith.constant 0 : i32
    %dma_wait3A_77 = arith.constant 0 : i32
    %dma_wait3A_78 = tpu.memref_slice %arg8[%dma_wait3A, %dma_wait3A_76, %dma_wait3A_77] : memref<3x200x128xf32, #tpu.memory_space<vmem>> -> memref<1x200x128xf32, #tpu.memory_space<vmem>>
    %dma_wait3A_79 = tpu.memref_squeeze %dma_wait3A_78 : memref<1x200x128xf32, #tpu.memory_space<vmem>> -> memref<200x128xf32, #tpu.memory_space<vmem>>
    %dma_wait3A_80 = arith.constant 0 : i32
    %dma_wait3A_81 = tpu.memref_slice %arg5[%add3A_74, %dma_wait3A_80] : memref<204800x128xf32, #tpu.memory_space<hbm>> -> memref<200x128xf32, #tpu.memory_space<hbm>>
    %dma_wait3A_82 = tpu.memref_slice %arg10[%dma_wait3A_75] : memref<3x!tpu.dma_semaphore, #tpu.memory_space<semaphore_mem>> -> memref<1x!tpu.dma_semaphore, #tpu.memory_space<semaphore_mem>>
    %dma_wait3A_83 = tpu.memref_squeeze %dma_wait3A_82 : memref<1x!tpu.dma_semaphore, #tpu.memory_space<semaphore_mem>> -> memref<!tpu.dma_semaphore, #tpu.memory_space<semaphore_mem>>
    %dma_wait3A_84 = arith.constant 0 : i32
    %dma_wait3A_85 = tpu.memref_slice %arg5[%add3A_74, %dma_wait3A_84] : memref<204800x128xf32, #tpu.memory_space<hbm>> -> memref<200x128xf32, #tpu.memory_space<hbm>>
    %dma_wait3A_86 = arith.constant 0 : i32
    %dma_wait3A_87 = arith.constant 0 : i32
    %dma_wait3A_88 = tpu.memref_slice %arg8[%dma_wait3A, %dma_wait3A_86, %dma_wait3A_87] : memref<3x200x128xf32, #tpu.memory_space<vmem>> -> memref<1x200x128xf32, #tpu.memory_space<vmem>>
    %dma_wait3A_89 = tpu.memref_squeeze %dma_wait3A_88 : memref<1x200x128xf32, #tpu.memory_space<vmem>> -> memref<200x128xf32, #tpu.memory_space<vmem>>
    tpu.wait_dma2 semaphore(%dma_wait3A_83 : memref<!tpu.dma_semaphore, #tpu.memory_space<semaphore_mem>>) src(%dma_wait3A_89 : memref<200x128xf32, #tpu.memory_space<vmem>>) dst(%dma_wait3A_85 : memref<200x128xf32, #tpu.memory_space<hbm>>)
    %mul3A_90 = arith.constant 6400 : i32
    %mul3A_91 = arith.muli %add3A, %mul3A_90 : i32
    %add3A_92 = arith.constant 6000 : i32
    %add3A_93 = arith.addi %mul3A_91, %add3A_92 : i32
    %dma_wait3A_94 = arith.constant 0 : i32
    %dma_wait3A_95 = arith.constant 0 : i32
    %dma_wait3A_96 = arith.constant 0 : i32
    %dma_wait3A_97 = arith.constant 0 : i32
    %dma_wait3A_98 = tpu.memref_slice %arg8[%dma_wait3A_94, %dma_wait3A_96, %dma_wait3A_97] : memref<3x200x128xf32, #tpu.memory_space<vmem>> -> memref<1x200x128xf32, #tpu.memory_space<vmem>>
    %dma_wait3A_99 = tpu.memref_squeeze %dma_wait3A_98 : memref<1x200x128xf32, #tpu.memory_space<vmem>> -> memref<200x128xf32, #tpu.memory_space<vmem>>
    %dma_wait3A_100 = arith.constant 0 : i32
    %dma_wait3A_101 = tpu.memref_slice %arg5[%add3A_93, %dma_wait3A_100] : memref<204800x128xf32, #tpu.memory_space<hbm>> -> memref<200x128xf32, #tpu.memory_space<hbm>>
    %dma_wait3A_102 = tpu.memref_slice %arg10[%dma_wait3A_95] : memref<3x!tpu.dma_semaphore, #tpu.memory_space<semaphore_mem>> -> memref<1x!tpu.dma_semaphore, #tpu.memory_space<semaphore_mem>>
    %dma_wait3A_103 = tpu.memref_squeeze %dma_wait3A_102 : memref<1x!tpu.dma_semaphore, #tpu.memory_space<semaphore_mem>> -> memref<!tpu.dma_semaphore, #tpu.memory_space<semaphore_mem>>
    %dma_wait3A_104 = arith.constant 0 : i32
    %dma_wait3A_105 = tpu.memref_slice %arg5[%add3A_93, %dma_wait3A_104] : memref<204800x128xf32, #tpu.memory_space<hbm>> -> memref<200x128xf32, #tpu.memory_space<hbm>>
    %dma_wait3A_106 = arith.constant 0 : i32
    %dma_wait3A_107 = arith.constant 0 : i32
    %dma_wait3A_108 = tpu.memref_slice %arg8[%dma_wait3A_94, %dma_wait3A_106, %dma_wait3A_107] : memref<3x200x128xf32, #tpu.memory_space<vmem>> -> memref<1x200x128xf32, #tpu.memory_space<vmem>>
    %dma_wait3A_109 = tpu.memref_squeeze %dma_wait3A_108 : memref<1x200x128xf32, #tpu.memory_space<vmem>> -> memref<200x128xf32, #tpu.memory_space<vmem>>
    tpu.wait_dma2 semaphore(%dma_wait3A_103 : memref<!tpu.dma_semaphore, #tpu.memory_space<semaphore_mem>>) src(%dma_wait3A_109 : memref<200x128xf32, #tpu.memory_space<vmem>>) dst(%dma_wait3A_105 : memref<200x128xf32, #tpu.memory_space<hbm>>)
    %mul3A_110 = arith.constant 6400 : i32
    %mul3A_111 = arith.muli %add3A, %mul3A_110 : i32
    %add3A_112 = arith.constant 6200 : i32
    %add3A_113 = arith.addi %mul3A_111, %add3A_112 : i32
    %dma_wait3A_114 = arith.constant 1 : i32
    %dma_wait3A_115 = arith.constant 1 : i32
    %dma_wait3A_116 = arith.constant 0 : i32
    %dma_wait3A_117 = arith.constant 0 : i32
    %dma_wait3A_118 = tpu.memref_slice %arg8[%dma_wait3A_114, %dma_wait3A_116, %dma_wait3A_117] : memref<3x200x128xf32, #tpu.memory_space<vmem>> -> memref<1x200x128xf32, #tpu.memory_space<vmem>>
    %dma_wait3A_119 = tpu.memref_squeeze %dma_wait3A_118 : memref<1x200x128xf32, #tpu.memory_space<vmem>> -> memref<200x128xf32, #tpu.memory_space<vmem>>
    %dma_wait3A_120 = arith.constant 0 : i32
    %dma_wait3A_121 = tpu.memref_slice %arg5[%add3A_113, %dma_wait3A_120] : memref<204800x128xf32, #tpu.memory_space<hbm>> -> memref<200x128xf32, #tpu.memory_space<hbm>>
    %dma_wait3A_122 = tpu.memref_slice %arg10[%dma_wait3A_115] : memref<3x!tpu.dma_semaphore, #tpu.memory_space<semaphore_mem>> -> memref<1x!tpu.dma_semaphore, #tpu.memory_space<semaphore_mem>>
    %dma_wait3A_123 = tpu.memref_squeeze %dma_wait3A_122 : memref<1x!tpu.dma_semaphore, #tpu.memory_space<semaphore_mem>> -> memref<!tpu.dma_semaphore, #tpu.memory_space<semaphore_mem>>
    %dma_wait3A_124 = arith.constant 0 : i32
    %dma_wait3A_125 = tpu.memref_slice %arg5[%add3A_113, %dma_wait3A_124] : memref<204800x128xf32, #tpu.memory_space<hbm>> -> memref<200x128xf32, #tpu.memory_space<hbm>>
    %dma_wait3A_126 = arith.constant 0 : i32
    %dma_wait3A_127 = arith.constant 0 : i32
    %dma_wait3A_128 = tpu.memref_slice %arg8[%dma_wait3A_114, %dma_wait3A_126, %dma_wait3A_127] : memref<3x200x128xf32, #tpu.memory_space<vmem>> -> memref<1x200x128xf32, #tpu.memory_space<vmem>>
    %dma_wait3A_129 = tpu.memref_squeeze %dma_wait3A_128 : memref<1x200x128xf32, #tpu.memory_space<vmem>> -> memref<200x128xf32, #tpu.memory_space<vmem>>
    tpu.wait_dma2 semaphore(%dma_wait3A_123 : memref<!tpu.dma_semaphore, #tpu.memory_space<semaphore_mem>>) src(%dma_wait3A_129 : memref<200x128xf32, #tpu.memory_space<vmem>>) dst(%dma_wait3A_125 : memref<200x128xf32, #tpu.memory_space<hbm>>)
    return
  }
}

</mosaic_0001>

<sc_bundles>
// kernel: kernel.3.cloned.1.call-start
scs
__scs_entry_jumppad:
0x0: {  	(pc) =	sbr.rel $0x88, $3  }
0x1: {  	(tag) =	ssettag $0x0;
	lr =	simm.s32 $0x1  }
0x2: {  	[smem:$0x3F9E] =	sst lr;
	_ =	strace $0xD0000000  }
0x3: {  	_ = 	snop  }
0x4: {  	_ = 	snop  }
0x5: {  	_ = 	snop  }
0x6: {  	_ = 	snop  }
0x7: {  	_ = 	snop  }
__scs_overlays_trampoline_lowered:
0x8: {  	[smem:$0x3FAD] =	sst s0  }
0x9: {  	[smem:$0x3FAE] =	sst s1  }
0xa: {  	[smem:$0x3FAF] =	sst s2  }
0xb: {  	[smem:$0x3FB0] =	sst s3  }
0xc: {  	[smem:$0x3FB1] =	sst s4  }
0xd: {  	[smem:$0x3FB2] =	sst s5  }
0xe: {  	[smem:$0x3FB3] =	sst s6  }
0xf: {  	[smem:$0x3FB4] =	sst s7  }
0x10: {  	[smem:$0x3FB5] =	sst s8  }
0x11: {  	[smem:$0x3FB6] =	sst s9;
	s0 =	simm.s32 @!p0 $0x0  }
0x12: {  	s1 =	sld [smem:$0x3F9C];
	s0 =	simm.s32 @p0 $0x1  }
0x13: {  	[smem:$0x3FB7] =	sst s0;
	s0 =	simm.s32 @!p1 $0x0  }
0x14: {  	s2 =	sld [smem:$0x3F9B];
	s0 =	simm.s32 @p1 $0x1  }
0x15: {  	[smem:$0x3FB8] =	sst s0;
	s0 =	simm.s32 @!p2 $0x0  }
0x16: {  	s3 =	sld [smem:$0x3FDB];
	s0 =	simm.s32 @p2 $0x1  }
0x17: {  	s4 =	simm.s32 $0x1BF5;
	[smem:$0x3FBA] =	sst s0  }
0x18: {  	s0 =	sld [smem:$0x3F9D];
	_ =	swait.ge [sflag:s4], $0x0  }
0x19: {  	s7 =	sld [smem:$0x3F9E]  }
0x1a: {  	s8 =	sadd.s32 $0xFFFFE003, lr  }
0x1b: {  	s9 =	sadd.s32 $0xFFFFFEF7, lr;
	s5 =	simm.s32 $0xFFFFFFFF;
	p2 =	slt.u32 s8, $0xFFFFF086  }
0x1c: {  	p1 =	slt.u32 s9, $0xF7A;
	s5 =	simm.s32 @!p2 $0x0  }
0x1d: {  	s5 =	simm.s32 @p1 $0x1;
	p0 =	seq.s32 s7, s2  }
0x1e: {  	s7 =	smul.u32 @!p0 $0xF7A, s2;
	p2 =	seq.s32 @!p0 s5, $0x0  }
0x1f: {  	s9 =	smul.u32 $0xF7A, s1;
	s8 =	simm.s32 @!p0 $0x1BF5;
	p2 =	por !p2, p0  }
0x20: {  	[sflag:s8] =	ssyncset.s32 @!p0 $0xFFFFF086;
	s6 =	sadd.s32 @!p0 s3, s7;
	s7 =	simm.s32 @!p0 $0x108  }
0x21: {  	s3 =	sadd.s32 s3, s9;
	s6 =	sadd.s32 @!p0 $0x88, s6;
	s7 =	simm.s32 @p2 $0x1082  }
0x22: {  	[simem:s7], [sflag:s8] =	dma.local @!p0 [hbm:s6], $0xF7A  }
0x23: {  	s9 =	sor.u32 $0xD0000000, s2;
	s6 =	simm.s32 $0x108;
	_ =	swait.ge @!p0 [sflag:s8], $0x0  }
0x24: {  	s3 =	sadd.s32 $0x88, s3;
	s6 =	simm.s32 @!p1 $0x1082;
	[sflag:s4] =	ssyncset.s32 $0xFFFFF086  }
0x25: {  	[simem:s6], [sflag:s4] =	dma.local [hbm:s3], $0xF7A  }
0x26: {  	[smem:$0x3F9E] =	sst s1;
	(tag) =	ssettag s2;
	_ =	strace s9  }
0x27: {  	s1 =	sld [smem:$0x3FAE]  }
0x28: {  	s2 =	sld [smem:$0x3FAF]  }
0x29: {  	s4 =	sld [smem:$0x3FB1]  }
0x2a: {  	p0 =	seq.s32 s5, $0x0;
	s5 =	sld [smem:$0x3FB2]  }
0x2b: {  	s6 =	sld [smem:$0x3FB3]  }
0x2c: {  	s7 =	sld [smem:$0x3FB4]  }
0x2d: {  	s3 =	simm.s32 $0x108;
	s8 =	sld [smem:$0x3FB5]  }
0x2e: {  	s3 =	simm.s32 @!p0 $0x1082;
	s9 =	sld [smem:$0x3FB6]  }
0x2f: {  	lr =	sadd.s32 s0, s3;
	s0 =	sld [smem:$0x3FAD]  }
0x30: {  	s3 =	sld [smem:$0x3FB0]  }
0x31: {  	[smem:$0x3FB9] =	sst s10  }
0x32: {  	s10 =	sld [smem:$0x3FB7];
	_ =	sdelay $0x3  }
0x33: {  	p0 =	seq.s32 s10, $0x1;
	s10 =	sld [smem:$0x3FB9];
	_ =	sdelay $0x3  }
0x34: {  	[smem:$0x3FB9] =	sst s10  }
0x35: {  	s10 =	sld [smem:$0x3FB8];
	_ =	sdelay $0x3  }
0x36: {  	p1 =	seq.s32 s10, $0x1;
	s10 =	sld [smem:$0x3FB9];
	_ =	sdelay $0x3  }
0x37: {  	[smem:$0x3FB9] =	sst s10  }
0x38: {  	s10 =	sld [smem:$0x3FBA]  }
0x39: {  	_ = 	snop;
	(pc) =	sbr.ind lr, $3  }
0x3a: {  	_ = 	snop  }
0x3b: {  	_ = 	snop  }
0x3c: {  	p2 =	seq.s32 s10, $0x1;
	s10 =	sld [smem:$0x3FB9]  }
0x3d: {  	_ =	shalt  }
0x3e: {  	_ =	shalt  }
0x3f: {  	_ =	shalt  }
0x40: {  	_ =	shalt  }
0x41: {  	_ =	shalt  }
0x42: {  	_ =	shalt  }
0x43: {  	_ =	shalt  }
0x44: {  	_ =	shalt  }
0x45: {  	_ =	shalt  }
0x46: {  	_ =	shalt  }
0x47: {  	_ =	shalt  }
0x48: {  	_ =	shalt  }
0x49: {  	_ =	shalt  }
0x4a: {  	_ =	shalt  }
0x4b: {  	_ =	shalt  }
0x4c: {  	_ =	shalt  }
0x4d: {  	_ =	shalt  }
0x4e: {  	_ =	shalt  }
0x4f: {  	_ =	shalt  }
0x50: {  	_ =	shalt  }
0x51: {  	_ =	shalt  }
0x52: {  	_ =	shalt  }
0x53: {  	_ =	shalt  }
0x54: {  	_ =	shalt  }
0x55: {  	_ =	shalt  }
0x56: {  	_ =	shalt  }
0x57: {  	_ =	shalt  }
0x58: {  	_ =	shalt  }
0x59: {  	_ =	shalt  }
0x5a: {  	_ =	shalt  }
0x5b: {  	_ =	shalt  }
0x5c: {  	_ =	shalt  }
0x5d: {  	_ =	shalt  }
0x5e: {  	_ =	shalt  }
0x5f: {  	_ =	shalt  }
0x60: {  	_ =	shalt  }
0x61: {  	_ =	shalt  }
0x62: {  	_ =	shalt  }
0x63: {  	_ =	shalt  }
0x64: {  	_ =	shalt  }
0x65: {  	_ =	shalt  }
0x66: {  	_ =	shalt  }
0x67: {  	_ =	shalt  }
0x68: {  	_ =	shalt  }
0x69: {  	_ =	shalt  }
0x6a: {  	_ =	shalt  }
0x6b: {  	_ =	shalt  }
0x6c: {  	_ =	shalt  }
0x6d: {  	_ =	shalt  }
0x6e: {  	_ =	shalt  }
0x6f: {  	_ =	shalt  }
0x70: {  	_ =	shalt  }
0x71: {  	_ =	shalt  }
0x72: {  	_ =	shalt  }
0x73: {  	_ =	shalt  }
0x74: {  	_ =	shalt  }
0x75: {  	_ =	shalt  }
0x76: {  	_ =	shalt  }
0x77: {  	_ =	shalt  }
0x78: {  	_ =	shalt  }
0x79: {  	_ =	shalt  }
0x7a: {  	_ =	shalt  }
0x7b: {  	_ =	shalt  }
0x7c: {  	_ =	shalt  }
0x7d: {  	_ =	shalt  }
0x7e: {  	_ =	shalt  }
0x7f: {  	_ =	shalt  }
0x80: {  	_ =	shalt  }
0x81: {  	_ =	shalt  }
0x82: {  	_ =	shalt  }
0x83: {  	_ =	shalt  }
0x84: {  	_ =	shalt  }
0x85: {  	_ =	shalt  }
0x86: {  	_ =	shalt  }
0x87: {  	_ =	shalt  }
.Lfunc_end0:
.L_simem_size_0:
called_computation_lowered:
.L_overlay_start_0:
0x88: {  	s2 =	sld [smem:$0x3FD9]  }
0x89: {  	s3 =	sld [smem:$0x3FFE];
	_ =	sdelay $0x1  }
0x8a: {  	s1 =	srdreg.scid  }
0x8b: {  	s0 =	sand.u32 $0x1, s1  }
0x8c: {  	s17 =	sshll.u32 s0, $0xA;
	s2 =	sadd.s32 s3, s2  }
0x8d: {  	s2 =	sadd.s32 s2, s17  }
0x8e: {  	[smem:$0x3FC5] =	sst s2  }
0x8f: {  	_ = 	snop  }
0x90: {  	s2 =	sld [smem:$0x3FC8]  }
0x91: {  	s18 =	sld [smem:$0x3FD0];
	(tm) =	ssettm $0x1  }
0x92: {  	s4 =	sld [smem:$0x3FFB];
	_ =	sdelay $0x3  }
0x93: {  	_ =	strace s4  }
0x94: {  	s4 =	sld [smem:$0x3FFC];
	_ =	sdelay $0x3  }
0x95: {  	_ =	strace s4  }
0x96: {  	s4 =	sld [smem:$0x3FFD];
	_ =	sdelay $0x3  }
0x97: {  	_ =	strace s4  }
0x98: {  	_ =	strace $0x8FFFFFFF  }
0x99: {  	s19 =	sld [smem:$0x3FDB];
	_ =	sdelay $0x1  }
0x9a: {  	s5 =	simm.s32 $_scs_section_size  }
0x9b: {  	s6 =	simm.s32 $_size__tile_overlayer_lowered;
	s7 =	simm.s32 $_tile_overlayer_lowered  }
0x9c: {  	s22 =	simm.s32 $0x1BFF;
	s21 =	sshll.u32 s7, $0x1;
	s4 =	sadd.s32 s5, s19  }
0x9d: {  	s8 =	simm.s32 $0x0;
	s20 =	sshll.u32 s6, $0x1;
	s6 =	sadd.s32 s21, s4  }
0x9e: {  	[timem:s8], [sflag:s22] =	dma.local [hbm:s6], s20  }
0x9f: {  	_ =	swait.ge [sflag:s22], s20  }
0xa0: {  	s5 =	ssub.s32 $0x0, s20;
	[sflag:s22] =	ssyncset.done $0x0  }
0xa1: {  	[sflag:s22] =	ssyncadd.s32 s5;
	_ =	sdelay $0x1  }
0xa2: {  	s23 =	simm.s32 $0x1B8B  }
0xa3: {  	_ =	swait.ge [sflag:s23], $0x1  }
0xa4: {  	[sflag:s23] =	ssyncset.done $0x0  }
0xa5: {  	s25 =	simm.s32 $0x1B8E;
	s24 =	sld [smem:$0x3FFE];
	[sflag:s23] =	ssyncadd.s32 $0xFFFFFFFF  }
0xa6: {  	s26 =	simm.s32 $execute0_lowered;
	[smem:$0x3FD2] =	sst s25  }
0xa7: {  	s6 =	sshll.u32 s26, $0x1;
	_ =	strace $0x80000046;
	[dreg:$0x1] =	wrdreg $0xFFFFFFFF  }
0xa8: {  	s28 =	simm.s32 $_size_execute0_lowered;
	s4 =	sadd.s32 s4, s6;
	[dreg:$0x0] =	wrdreg $0x0  }
0xa9: {  	s6 =	sshll.u32 s28, $0x1;
	[dreg:$0x2] =	wrdreg s4  }
0xaa: {  	[dreg:$0x3] =	wrdreg s6  }
0xab: {  	[dreg:$0x4] =	wrdreg $0xC0  }
0xac: {  	_ =	task [dreg:s8], $0x5FFFF  }
0xad: {  	[dreg:$0x1] =	wrdreg $0xFFFFFFFF  }
0xae: {  	[dreg:$0x0] =	wrdreg $0x60  }
0xaf: {  	[dreg:$0x2] =	wrdreg s24  }
0xb0: {  	[dreg:$0x3] =	wrdreg s2  }
0xb1: {  	[dreg:$0x4] =	wrdreg s18  }
0xb2: {  	[dreg:$0x5] =	wrdreg $0x9  }
0xb3: {  	_ =	task.clear_ibuf [dreg:s8], $0x6FFFF;
	_ =	strace $0x90000046  }
0xb4: {  	s29 =	simm.s32 $0x9;
	_ =	strace $0x80000048  }
0xb5: {  	_ =	swait.ge [sflag:s29], $0x1  }
0xb6: {  	[sflag:s29] =	ssyncadd.s32 $0xFFFFFFFF  }
0xb7: {  	_ =	strace $0x90000048  }
0xb8: {  	_ =	sfence  }
0xb9: {  	s30 =	sld [smem:$0x0];
	_ =	sdelay $0x2  }
0xba: {  	s31 =	sshll.u32 s1, $0xD;
	s1 =	sshrl.u32 s1, $0x2  }
0xbb: {  	s3 =	sand.u32 $0x4000, s31;
	s1 =	sadd.s32 s1, s30  }
0xbc: {  	s0 =	sor.u32 s3, s0;
	s1 =	sshll.u32 s1, $0x11  }
0xbd: {  	s0 =	sor.u32 s1, s0  }
0xbe: {  	s0 =	sadd.s32 $0x8F2B, s0  }
0xbf: {  	[sflag:s0] =	ssyncadd.remote.s32 $0x1  }
0xc0: {  	_ =	sfence.sel $0xFFFF  }
0xc1: {  	[dreg:$0x0] =	wrdreg $0xFFFFFFFF;
	(pc) =	sbr.abs _section_cstart, $3  }
0xc2: {  	[dreg:$0x1] =	wrdreg $0xFFFFFFFF  }
0xc3: {  	_ =	task.clear_ibuf [dreg:s8], $0x2FFFF;
	_ =	strace $0x9FFFFFFF  }
0xc4: {  	(tm) =	ssettm $0x7FFFFFFF  }
0xc5: {  	_ =	shalt  }
tec
execute0_lowered:
.L_overlay_start_1:
0x0: {  	(tag) =	ssettag $0x1  }
0x1: {  	s4 =	rddreg [dreg:$0x0]  }
0x2: {  	s2 =	rddreg [dreg:$0x1]  }
0x3: {  	s6 =	rddreg [dreg:$0x2]  }
0x4: {  	s0 =	rddreg [dreg:$0x3];
	s5 =	srdreg.scid  }
0x5: {  	s1 =	stileid.u32;
	s3 =	simm.s32 $0x0;
	s10 =	simm.s32 $0x64  }
0x6: {  	s11 =	simm.s32 $0x80;
	s12 =	simm.s32 $0xB600;
	s13 =	simm.s32 $0x100  }
0x7: {  	s14 =	simm.s32 $0xE800;
	s15 =	simm.s32 $0x180;
	s16 =	simm.s32 $0x11A00  }
0x8: {  	s17 =	simm.s32 $0x6;
	s18 =	simm.s32 $0x4;
	s19 =	simm.s32 $0x5  }
0x9: {  	s5 =	sand.u32 $0x1, s5;
	s7 =	sshll.u32 s1, $0x1;
	[smem:$0x7FF] =	sst s3  }
0xa: {  	s20 =	simm.s32 $0x0;
	s7 =	sor.u32 s5, s7;
	_ =	strace $0x80000047  }
0xb: {  	s5 =	ssub.s32 $0x2, s5;
	s8 =	sshll.u32 s7, $0xA;
	s7 =	smul.u32 $0x19000, s7  }
0xc: {  	s9 =	sshrl.u32 s5, $0x1;
	s8 =	sadd.s32 s8, s4;
	s4 =	sadd.s32 $0x400, s4  }
0xd: {  	s9 =	ssub.s32 s5, s9;
	s5 =	sadd.s32 $0x1200, s8;
	s6 =	sadd.s32 s6, s7  }
0xe: {  	s7 =	smax.u32 s9, $0x1;
	s8 =	simm.s32 $0x7;
	s9 =	simm.s32 $0x2000  }
.LBB2_1:
0xf: {  	[tilespmem:s3], [sflag:$0x7] =	stream.linear.gather [hbm4b:s5+s3], $0x2000, $0x38;
	[tilespmem:$0x1B000] =	vst v63  }
0x10: {  	_ =	swait.ge [sflag:s8], $0x2000  }
0x11: {  	[sflag:s8] =	ssyncset.done $0x0  }
0x12: {  	[sflag:s8] =	ssyncadd.s32 $0xFFFFE000  }
0x13: {  	[tilespmem:s9], [sflag:$0x7] =	stream.linear.gather [hbm4b:s4+s3], $0x6400, $0x38;
	[tilespmem:$0x1B000] =	vst v63  }
0x14: {  	_ =	swait.ge [sflag:s8], $0x6400  }
0x15: {  	[sflag:s8] =	ssyncset.done $0x0  }
0x16: {  	s21 =	simm.s32 $0x8400;
	[sflag:s8] =	ssyncadd.s32 $0xFFFF9C00  }
0x17: {  	[tilespmem:s21], [sflag:$0x1] =	stream.indirect.gather [hbm4b:s2+s10], $0x80, s3, s10, $0xb8;
	[tilespmem:$0x1B000] =	vst v63  }
0x18: {  	_ = 	snop  }
0x19: {  	[tilespmem:s12], [sflag:$0x1] =	stream.indirect.gather [hbm4b:s2+s10], $0x80, s11, s10, $0xb8;
	[tilespmem:$0x1B000] =	vst v63  }
0x1a: {  	_ = 	snop  }
0x1b: {  	[tilespmem:s14], [sflag:$0x2] =	stream.indirect.gather [hbm4b:s2+s10], $0x80, s13, s10, $0xb8;
	[tilespmem:$0x1B000] =	vst v63  }
0x1c: {  	s22 =	simm.s32 $0x0  }
0x1d: {  	[tilespmem:s16], [sflag:$0x2] =	stream.indirect.gather [hbm4b:s2+s10], $0x80, s15, s10, $0xb8;
	[tilespmem:$0x1B000] =	vst v63  }
.LBB2_2:
0x1e: {  	s23 =	smul.u32 $0xAB, s22;
	_ =	sdelay $0x1  }
0x1f: {  	s23 =	sshrl.u32 s23, $0x9  }
0x20: {  	s23 =	sand.u32 $0x7F, s23  }
0x21: {  	s23 =	smul.u32 $0x3, s23;
	_ =	sdelay $0x1  }
0x22: {  	s23 =	ssub.s32 s22, s23  }
0x23: {  	s23 =	sand.u32 $0xFF, s23  }
0x24: {  	s24 =	sadd.s32 $0x1, s23  }
0x25: {  	_ =	swait.ge [sflag:s24], $0x3200  }
0x26: {  	[sflag:s24] =	ssyncset.done $0x0  }
0x27: {  	[sflag:s24] =	ssyncadd.s32 $0xFFFFCE00  }
0x28: {  	_ =	swait.ge [sflag:s24], $0x3200  }
0x29: {  	[sflag:s24] =	ssyncset.done $0x0  }
0x2a: {  	s26 =	simm.s32 $0x0;
	[sflag:s24] =	ssyncadd.s32 $0xFFFFCE00  }
0x2b: {  	v1 =	vld [tilespmem:s26+$0x2180]  }
0x2c: {  	v2 =	vld [tilespmem:s26+$0x2190]  }
0x2d: {  	v3 =	vld [tilespmem:s26+$0x21A0]  }
0x2e: {  	v4 =	vld [tilespmem:s26+$0x21F0]  }
0x2f: {  	v5 =	vld [tilespmem:s26+$0x21B0]  }
0x30: {  	v6 =	vld [tilespmem:s26+$0x21C0]  }
0x31: {  	v7 =	vld [tilespmem:s26+$0x21D0]  }
0x32: {  	v0 =	vld [tilespmem:s26+$0x21E0]  }
0x33: {  	v63 =	vld [tilespmem:s26+$0x2000]  }
0x34: {  	v8 =	vld [tilespmem:s26+$0x2010]  }
0x35: {  	v9 =	vld [tilespmem:s26+$0x2020]  }
0x36: {  	v10 =	vld [tilespmem:s26+$0x2030]  }
0x37: {  	v11 =	vld [tilespmem:s26+$0x2040]  }
0x38: {  	v12 =	vld [tilespmem:s26+$0x2050]  }
0x39: {  	v13 =	vld [tilespmem:s26+$0x2060]  }
0x3a: {  	v14 =	vld [tilespmem:s26+$0x2070]  }
0x3b: {  	v15 =	vld [tilespmem:s26+$0x2080]  }
0x3c: {  	v16 =	vld [tilespmem:s26+$0x2090]  }
0x3d: {  	v17 =	vld [tilespmem:s26+$0x20A0]  }
0x3e: {  	v18 =	vld [tilespmem:s26+$0x20B0]  }
0x3f: {  	v19 =	vld [tilespmem:s26+$0x20C0]  }
0x40: {  	v20 =	vld [tilespmem:s26+$0x20D0]  }
0x41: {  	v21 =	vld [tilespmem:s26+$0x20E0]  }
0x42: {  	v22 =	vld [tilespmem:s26+$0x20F0]  }
0x43: {  	s30 =	smulhi.u32 $0xAAAAAAAB, s22;
	v23 =	vld [tilespmem:s26+$0x2100]  }
0x44: {  	v24 =	vld [tilespmem:s26+$0x2110]  }
0x45: {  	s24 =	sshrl.u32 s30, $0x1;
	v25 =	vld [tilespmem:s26+$0x2120]  }
0x46: {  	s24 =	smul.u32 $0xFFFB5000, s24;
	v26 =	vld [tilespmem:s26+$0x2130]  }
0x47: {  	v27 =	vld [tilespmem:s26+$0x2140]  }
0x48: {  	v28 =	vld [tilespmem:s26+$0x2150];
	s24 =	sshra.s32 s24, $0x2  }
0x49: {  	v29 =	vld [tilespmem:s26+$0x2160];
	s24 =	sadd.s32 s24, s21  }
0x4a: {  	v30 =	vld [tilespmem:s26+$0x2170];
	s25 =	sadd.s32 $0x0, s24  }
0x4b: {  	[tilespmem:s25+$0x1F0] =	vst.add.f32.msk $0xffff, v4  }
0x4c: {  	[tilespmem:s25+$0x0] =	vst.add.f32.msk $0xffff, v63  }
0x4d: {  	[tilespmem:s25+$0x10] =	vst.add.f32.msk $0xffff, v8  }
0x4e: {  	[tilespmem:s25+$0x20] =	vst.add.f32.msk $0xffff, v9  }
0x4f: {  	[tilespmem:s25+$0x30] =	vst.add.f32.msk $0xffff, v10  }
0x50: {  	[tilespmem:s25+$0x40] =	vst.add.f32.msk $0xffff, v11  }
0x51: {  	[tilespmem:s25+$0x50] =	vst.add.f32.msk $0xffff, v12  }
0x52: {  	[tilespmem:s25+$0x60] =	vst.add.f32.msk $0xffff, v13  }
0x53: {  	[tilespmem:s25+$0x70] =	vst.add.f32.msk $0xffff, v14  }
0x54: {  	[tilespmem:s25+$0x80] =	vst.add.f32.msk $0xffff, v15  }
0x55: {  	[tilespmem:s25+$0x90] =	vst.add.f32.msk $0xffff, v16  }
0x56: {  	[tilespmem:s25+$0xA0] =	vst.add.f32.msk $0xffff, v17  }
0x57: {  	[tilespmem:s25+$0xB0] =	vst.add.f32.msk $0xffff, v18  }
0x58: {  	[tilespmem:s25+$0xC0] =	vst.add.f32.msk $0xffff, v19  }
0x59: {  	[tilespmem:s25+$0xD0] =	vst.add.f32.msk $0xffff, v20  }
0x5a: {  	[tilespmem:s25+$0xE0] =	vst.add.f32.msk $0xffff, v21  }
0x5b: {  	[tilespmem:s25+$0xF0] =	vst.add.f32.msk $0xffff, v22  }
0x5c: {  	[tilespmem:s25+$0x100] =	vst.add.f32.msk $0xffff, v23  }
0x5d: {  	[tilespmem:s25+$0x110] =	vst.add.f32.msk $0xffff, v24  }
0x5e: {  	[tilespmem:s25+$0x120] =	vst.add.f32.msk $0xffff, v25  }
0x5f: {  	[tilespmem:s25+$0x130] =	vst.add.f32.msk $0xffff, v26  }
0x60: {  	[tilespmem:s25+$0x140] =	vst.add.f32.msk $0xffff, v27  }
0x61: {  	[tilespmem:s25+$0x150] =	vst.add.f32.msk $0xffff, v28  }
0x62: {  	[tilespmem:s25+$0x160] =	vst.add.f32.msk $0xffff, v29  }
0x63: {  	[tilespmem:s25+$0x170] =	vst.add.f32.msk $0xffff, v30  }
0x64: {  	[tilespmem:s25+$0x180] =	vst.add.f32.msk $0xffff, v1  }
0x65: {  	[tilespmem:s25+$0x190] =	vst.add.f32.msk $0xffff, v2  }
0x66: {  	s31 =	smul.u32 $0x19000, s23;
	[tilespmem:s25+$0x1A0] =	vst.add.f32.msk $0xffff, v3  }
0x67: {  	[tilespmem:s25+$0x1B0] =	vst.add.f32.msk $0xffff, v5  }
0x68: {  	s26 =	sshrl.u32 s31, $0x2;
	[tilespmem:s25+$0x1C0] =	vst.add.f32.msk $0xffff, v6  }
0x69: {  	s28 =	simm.s32 $0x0;
	s29 =	simm.s32 $0x800;
	s26 =	sadd.s32 $0x8400, s26;
	[tilespmem:s25+$0x1D0] =	vst.add.f32.msk $0xffff, v7  }
.LBB2_3:
0x6a: {  	s30 =	sshra.s32 s29, $0x2;
	[tilespmem:s25+$0x1E0] =	vst.add.f32.msk $0xffff, v0  }
0x6b: {  	v1 =	vld [tilespmem:s30+$0x2180]  }
0x6c: {  	v2 =	vld [tilespmem:s30+$0x2190]  }
0x6d: {  	s28 =	sadd.s32 $0x4, s28;
	v3 =	vld [tilespmem:s30+$0x21A0]  }
0x6e: {  	p0 =	slt.u32 s28, $0xC4;
	v4 =	vld [tilespmem:s30+$0x21F0]  }
0x6f: {  	v5 =	vld [tilespmem:s30+$0x21B0]  }
0x70: {  	v6 =	vld [tilespmem:s30+$0x21C0]  }
0x71: {  	v7 =	vld [tilespmem:s30+$0x21D0]  }
0x72: {  	s25 =	sadd.s32 s30, s24;
	v0 =	vld [tilespmem:s30+$0x21E0]  }
0x73: {  	[tilespmem:s25+$0x1F0] =	vst.add.f32.msk $0xffff, v4  }
0x74: {  	v4 =	vld [tilespmem:s30+$0x2000]  }
0x75: {  	v8 =	vld [tilespmem:s30+$0x2010]  }
0x76: {  	v9 =	vld [tilespmem:s30+$0x2020]  }
0x77: {  	v10 =	vld [tilespmem:s30+$0x2030]  }
0x78: {  	v11 =	vld [tilespmem:s30+$0x2040]  }
0x79: {  	v12 =	vld [tilespmem:s30+$0x2050]  }
0x7a: {  	v13 =	vld [tilespmem:s30+$0x2060]  }
0x7b: {  	v14 =	vld [tilespmem:s30+$0x2070]  }
0x7c: {  	v15 =	vld [tilespmem:s30+$0x2080]  }
0x7d: {  	v16 =	vld [tilespmem:s30+$0x2090]  }
0x7e: {  	v17 =	vld [tilespmem:s30+$0x20A0]  }
0x7f: {  	v18 =	vld [tilespmem:s30+$0x20B0]  }
0x80: {  	v19 =	vld [tilespmem:s30+$0x20C0]  }
0x81: {  	v20 =	vld [tilespmem:s30+$0x20D0]  }
0x82: {  	v21 =	vld [tilespmem:s30+$0x20E0]  }
0x83: {  	v22 =	vld [tilespmem:s30+$0x20F0]  }
0x84: {  	v23 =	vld [tilespmem:s30+$0x2100]  }
0x85: {  	v24 =	vld [tilespmem:s30+$0x2110]  }
0x86: {  	v25 =	vld [tilespmem:s30+$0x2120]  }
0x87: {  	v26 =	vld [tilespmem:s30+$0x2130]  }
0x88: {  	v27 =	vld [tilespmem:s30+$0x2140]  }
0x89: {  	v28 =	vld [tilespmem:s30+$0x2150]  }
0x8a: {  	v29 =	vld [tilespmem:s30+$0x2160]  }
0x8b: {  	v30 =	vld [tilespmem:s30+$0x2170]  }
0x8c: {  	[tilespmem:s25+$0x0] =	vst.add.f32.msk $0xffff, v4  }
0x8d: {  	[tilespmem:s25+$0x10] =	vst.add.f32.msk $0xffff, v8  }
0x8e: {  	[tilespmem:s25+$0x20] =	vst.add.f32.msk $0xffff, v9  }
0x8f: {  	[tilespmem:s25+$0x30] =	vst.add.f32.msk $0xffff, v10  }
0x90: {  	[tilespmem:s25+$0x40] =	vst.add.f32.msk $0xffff, v11  }
0x91: {  	[tilespmem:s25+$0x50] =	vst.add.f32.msk $0xffff, v12  }
0x92: {  	[tilespmem:s25+$0x60] =	vst.add.f32.msk $0xffff, v13  }
0x93: {  	[tilespmem:s25+$0x70] =	vst.add.f32.msk $0xffff, v14  }
0x94: {  	[tilespmem:s25+$0x80] =	vst.add.f32.msk $0xffff, v15  }
0x95: {  	[tilespmem:s25+$0x90] =	vst.add.f32.msk $0xffff, v16  }
0x96: {  	[tilespmem:s25+$0xA0] =	vst.add.f32.msk $0xffff, v17  }
0x97: {  	[tilespmem:s25+$0xB0] =	vst.add.f32.msk $0xffff, v18  }
0x98: {  	[tilespmem:s25+$0xC0] =	vst.add.f32.msk $0xffff, v19  }
0x99: {  	[tilespmem:s25+$0xD0] =	vst.add.f32.msk $0xffff, v20  }
0x9a: {  	[tilespmem:s25+$0xE0] =	vst.add.f32.msk $0xffff, v21  }
0x9b: {  	[tilespmem:s25+$0xF0] =	vst.add.f32.msk $0xffff, v22  }
0x9c: {  	[tilespmem:s25+$0x100] =	vst.add.f32.msk $0xffff, v23  }
0x9d: {  	[tilespmem:s25+$0x110] =	vst.add.f32.msk $0xffff, v24  }
0x9e: {  	[tilespmem:s25+$0x120] =	vst.add.f32.msk $0xffff, v25  }
0x9f: {  	[tilespmem:s25+$0x130] =	vst.add.f32.msk $0xffff, v26  }
0xa0: {  	[tilespmem:s25+$0x140] =	vst.add.f32.msk $0xffff, v27  }
0xa1: {  	[tilespmem:s25+$0x150] =	vst.add.f32.msk $0xffff, v28  }
0xa2: {  	[tilespmem:s25+$0x160] =	vst.add.f32.msk $0xffff, v29  }
0xa3: {  	[tilespmem:s25+$0x170] =	vst.add.f32.msk $0xffff, v30  }
0xa4: {  	[tilespmem:s25+$0x180] =	vst.add.f32.msk $0xffff, v1  }
.Ltmp0:
0xa5: {  	[tilespmem:s25+$0x190] =	vst.add.f32.msk $0xffff, v2;
	(pc) =	sbr.rel @p0 .LBB2_3-.Ltmp0, $4  }
0xa6: {  	[tilespmem:s25+$0x1A0] =	vst.add.f32.msk $0xffff, v3  }
0xa7: {  	[tilespmem:s25+$0x1B0] =	vst.add.f32.msk $0xffff, v5  }
0xa8: {  	[tilespmem:s25+$0x1C0] =	vst.add.f32.msk $0xffff, v6  }
0xa9: {  	s29 =	sadd.s32 $0x800, s29;
	[tilespmem:s25+$0x1D0] =	vst.add.f32.msk $0xffff, v7  }
0xaa: {  	p0 =	sgt.u32 s22, $0x1D  }
0xab: {  	p1 =	seq.s32 @!p0 s22, $0x0  }
0xac: {  	s29 =	sadd.s32 $0x2, s22;
	p1 =	por p1, p0  }
0xad: {  	s30 =	smul.u32 @!p0 $0xAB, s29;
	s24 =	sadd.s32 @!p1 $0xFFFFFFFF, s22  }
0xae: {  	s28 =	sand.u32 @!p1 $0xFF, s24  }
0xaf: {  	s30 =	sshrl.u32 @!p0 s30, $0x9;
	s28 =	smul.u32 @!p1 $0xAB, s28  }
0xb0: {  	s31 =	smul.u32 $0xC80, s22;
	s30 =	sand.u32 @!p0 $0x7F, s30  }
0xb1: {  	s30 =	smul.u32 @!p0 $0x3, s30;
	s28 =	sshrl.u32 @!p1 s28, $0x9  }
0xb2: {  	[tilespmem:s25+$0x1E0] =	vst.add.f32.msk $0xffff, v0;
	s23 =	sadd.s32 $0x4, s23;
	s31 =	sadd.s32 s6, s31;
	s28 =	smul.u32 @!p1 $0x3, s28  }
0xb3: {  	[hbm4b:s31+s3] =	stream.linear.scatter [tilespmem:s26], [sflag:s23], $0x6400, $0x38;
	[tilespmem:$0x1B000] =	vst v63  }
0xb4: {  	s23 =	ssub.s32 @!p1 s24, s28;
	s24 =	ssub.s32 @!p0 s29, s30  }
0xb5: {  	s23 =	sor.u32 @!p1 $0x4, s23;
	s24 =	sand.u32 @!p0 $0xFF, s24  }
0xb6: {  	s26 =	sshll.u32 @!p0 s29, $0x8;
	s23 =	sand.u32 @!p1 $0xFF, s23;
	s25 =	smul.u32 @!p0 $0x19000, s24  }
0xb7: {  	s26 =	sand.u32 @!p0 $0x3FFFFF00, s26;
	_ =	swait.ge @!p1 [sflag:s23], $0x6400  }
0xb8: {  	s28 =	simm.s32 @!p0 $0x64;
	[sflag:s23] =	ssyncset.done @!p1 $0x0;
	s25 =	sshrl.u32 @!p0 s25, $0x2  }
0xb9: {  	s24 =	sadd.s32 @!p0 $0x1, s24;
	[sflag:s23] =	ssyncadd.s32 @!p1 $0xFFFF9C00;
	s23 =	sadd.s32 @!p0 $0x8400, s25  }
0xba: {  	[tilespmem:s23], [sflag:s24] =	stream.indirect.gather @!p0 [hbm4b:s2+s28], $0x80, s26, s28, $0xb8;
	[tilespmem:$0x1B000] =	vst v63  }
0xbb: {  	s22 =	sadd.s32 $0x1, s22;
	s23 =	sadd.s32 @!p0 $0xB600, s25;
	s25 =	sor.u32 @!p0 $0x80, s26  }
0xbc: {  	[tilespmem:s23], [sflag:s24] =	stream.indirect.gather @!p0 [hbm4b:s2+s28], $0x80, s25, s28, $0xb8;
	[tilespmem:$0x1B000] =	vst v63  }
0xbd: {  	p0 =	sne.s32 s22, $0x20  }
.Ltmp1:
0xbe: {  	_ = 	snop;
	(pc) =	sbr.rel @p0 .LBB2_2-.Ltmp1, $2  }
0xbf: {  	_ =	sdelay $0x2  }
0xc0: {  	s21 =	sadd.s32 $0x6400, s21  }
0xc1: {  	_ =	swait.ge [sflag:s17], $0x6400  }
0xc2: {  	[sflag:s17] =	ssyncset.done $0x0  }
0xc3: {  	s20 =	sadd.s32 $0x1, s20;
	[sflag:s17] =	ssyncadd.s32 $0xFFFF9C00  }
0xc4: {  	p0 =	sne.s32 s20, s7;
	_ =	swait.ge [sflag:s18], $0x6400  }
.Ltmp2:
0xc5: {  	[sflag:s18] =	ssyncset.done $0x0;
	(pc) =	sbr.rel @p0 .LBB2_1-.Ltmp2, $4  }
0xc6: {  	[sflag:s18] =	ssyncadd.s32 $0xFFFF9C00  }
0xc7: {  	_ =	swait.ge [sflag:s19], $0x6400  }
0xc8: {  	[sflag:s19] =	ssyncset.done $0x0  }
0xc9: {  	[sflag:s19] =	ssyncadd.s32 $0xFFFF9C00  }
0xca: {  	_ =	sfence.sel $0x180000  }
0xcb: {  	[bflag:$0x0] =	sbarrier.arrive $0xFFFF  }
0xcc: {  	p0 =	sne.s32 s1, $0x0;
	_ =	strace $0x90000047  }
0xcd: {  	s0 =	sadd.s32 @!p0 $0x100000, s0;
	[bflag:$0x2] =	sbarrier.arrive $0xFFFF  }
0xce: {  	[sflag:s0] =	ssyncadd.tile.s32 @!p0 $0x1;
	_ =	shalt  }
.Lfunc_end2:
_tile_overlayer_lowered:
.L_overlay_start_2:
0xcf: {  	(tag) =	ssettag $0x2  }
0xd0: {  	s0 =	rddreg [dreg:$0x0];
	s2 =	stileid.u32  }
0xd1: {  	s1 =	rddreg [dreg:$0x1];
	p0 =	sne.s32 s2, $0x0  }
0xd2: {  	s3 =	rddreg [dreg:$0x2];
	[bflag:$0x3] =	sbarrier.arrive $0xFFFF;
	s2 =	simm.s32 @!p0 $0x1C07  }
0xd3: {  	[timem:s3], [sflag:s2] =	dma.local @!p0 [hbm:s0], s1  }
0xd4: {  	s0 =	simm.s32 @!p0 $0x7  }
0xd5: {  	_ =	swait.ge @!p0 [sflag:s0], s1  }
0xd6: {  	s1 =	ssub.s32 @!p0 $0x0, s1;
	[sflag:s0] =	ssyncset.done @!p0 $0x0  }
0xd7: {  	[sflag:s0] =	ssyncadd.s32 @!p0 s1  }
0xd8: {  	[bflag:$0x3] =	sbarrier.arrive $0xFFFF  }
0xd9: {  	_ =	shalt  }

</sc_bundles>
